<compile_context>
chip_gen: v7x
topology: tpu7x:2x2x1
jax: 0.10.2.dev20260603
libtpu: 0.0.44.dev20260713+nightly
codegen_flags: <defaults>
</compile_context>

<pallas_src>
import functools

import jax
import jax.numpy as jnp
from jax import lax
from jax.experimental import pallas as pl
from jax.experimental.pallas import tpu as pltpu
from jax.experimental.pallas import tpu_sc as plsc

_N = 10000
_E = 320000
_C = 128
_EPS = 1e-5
_NP = 10240
_B = 128
_NCHUNK = 2560
_EPAD = _NCHUNK * _B
_NC = 2
_NS = 16
_GT = _NCHUNK // (_NC * _NS)
_GH = _GT // 2
_ZR = _NP // _NS
_DW = 16

_DR = _NP // _B


def _deg_body(row2d, out, accd, rowv, deg1, deg2, idv):
    c = lax.axis_index("c")
    s = lax.axis_index("s")

    def zfill(i, carry):
        deg1[pl.ds(i * 16, 16)] = jnp.zeros((16,), jnp.float32)
        return carry

    lax.fori_loop(0, _NP // 16, zfill, 0)
    for k in range(_DR // 16):
        idv[0, pl.ds(k * 16, 16)] = lax.iota(jnp.int32, 16) + (k * 16)

    def z2(i, carry):
        for j in range(_B // 16):
            deg2[i, pl.ds(j * 16, 16)] = jnp.zeros((16,), jnp.float32)
        return carry

    lax.fori_loop(0, 8, z2, 0)

    @pl.when(s < _DR // 8)
    def _zero_acc():
        pltpu.sync_copy(deg2.at[pl.ds(0, 8)], accd.at[pl.ds(s * 8, 8)])

    base = (c * _NS + s) * _GT
    pltpu.sync_copy(row2d.at[pl.ds(base, _GT)], rowv)
    plsc.subcore_barrier()

    ones16 = jnp.full((16,), 1.0, jnp.float32)

    def hist(g, carry):
        for j in range(_B // 16):
            idx = rowv[g, pl.ds(j * 16, 16)]
            plsc.addupdate_scatter(deg1, [idx], ones16)
        return carry

    lax.fori_loop(0, _GT, hist, 0)

    def tw(g, carry):
        for j in range(_B // 16):
            deg2[g, pl.ds(j * 16, 16)] = deg1[pl.ds(g * _B + j * 16, 16)]
        return carry

    lax.fori_loop(0, _DR, tw, 0)
    pltpu.sync_copy(deg2, accd.at[idv.at[0]], add=True)
    plsc.subcore_barrier()

    @pl.when(s < _DR // 8)
    def _dump():
        pltpu.sync_copy(accd.at[pl.ds(s * 8, 8)],
                        out.at[pl.ds(c * _DR + s * 8, 8)])


@functools.cache
def _deg_kernel():
    mesh = plsc.VectorSubcoreMesh(core_axis_name="c", subcore_axis_name="s")
    return pl.kernel(
        _deg_body,
        out_type=jax.ShapeDtypeStruct((_NC * _DR, _B), jnp.float32),
        mesh=mesh,
        compiler_params=pltpu.CompilerParams(needs_layout_passes=False),
        scratch_types=[
            pltpu.VMEM_SHARED((_DR, _B), jnp.float32),
            pltpu.VMEM((_GT, _B), jnp.int32),
            pltpu.VMEM((_NP,), jnp.float32),
            pltpu.VMEM((_DR, _B), jnp.float32),
            pltpu.VMEM((1, _DR), jnp.int32),
        ],
    )


_ZB = 32


def _prop_body(hs, col2d, row2d, out, acc, colv, rowv, gbuf0, gbuf1, zbuf,
               gsem0, gsem1):
    c = lax.axis_index("c")
    s = lax.axis_index("s")
    base = (c * _NS + s) * _GT

    pltpu.sync_copy(col2d.at[pl.ds(base, _GH)], colv)
    pltpu.sync_copy(row2d.at[pl.ds(base, _GH)], rowv)
    pltpu.async_copy(hs.at[colv.at[0]], gbuf0, gsem0)
    pltpu.async_copy(hs.at[colv.at[1]], gbuf1, gsem1)

    def fill(i, carry):
        for j in range(_C // 16):
            zbuf[i, pl.ds(j * 16, 16)] = jnp.zeros((16,), jnp.float32)
        return carry

    lax.fori_loop(0, _ZB, fill, 0)

    def zero(k, carry):
        pltpu.sync_copy(zbuf, acc.at[pl.ds(s * _ZR + k * _ZB, _ZB)])
        return carry

    lax.fori_loop(0, _ZR // _ZB, zero, 0)
    plsc.subcore_barrier()

    def half(hh, carry):
        hbase = base + hh * _GH

        @pl.when(hh > 0)
        def _stage():
            pltpu.sync_copy(col2d.at[pl.ds(hbase, _GH)], colv)
            pltpu.sync_copy(row2d.at[pl.ds(hbase, _GH)], rowv)
            pltpu.async_copy(hs.at[colv.at[0]], gbuf0, gsem0)
            pltpu.async_copy(hs.at[colv.at[1]], gbuf1, gsem1)

        def chunk2(h, carry2):
            for (buf, sem, off) in ((gbuf0, gsem0, 0), (gbuf1, gsem1, 1)):
                g = h * 2 + off
                pltpu.make_async_copy(hs.at[colv.at[g]], buf, sem).wait()
                pltpu.sync_copy(buf, acc.at[rowv.at[g]], add=True)

                @pl.when(g + 2 < _GH)
                def _refill():
                    pltpu.async_copy(hs.at[colv.at[g + 2]], buf, sem)

            return carry2

        lax.fori_loop(0, _GH // 2, chunk2, 0)
        return carry

    lax.fori_loop(0, _GT // _GH, half, 0)
    plsc.subcore_barrier()
    pltpu.sync_copy(acc.at[pl.ds(s * _ZR, _ZR)],
                    out.at[pl.ds(c * _NP + s * _ZR, _ZR)])


@functools.cache
def _prop_kernel():
    mesh = plsc.VectorSubcoreMesh(core_axis_name="c", subcore_axis_name="s")
    return pl.kernel(
        _prop_body,
        out_type=jax.ShapeDtypeStruct((_NC * _NP, _C), jnp.float32),
        mesh=mesh,
        scratch_types=[
            pltpu.VMEM_SHARED((_NP, _C), jnp.float32),
            pltpu.VMEM((_GH, _B), jnp.int32),
            pltpu.VMEM((_GH, _B), jnp.int32),
            pltpu.VMEM((_B, _C), jnp.float32),
            pltpu.VMEM((_B, _C), jnp.float32),
            pltpu.VMEM((_ZB, _C), jnp.float32),
            pltpu.SemaphoreType.DMA,
            pltpu.SemaphoreType.DMA,
        ],
    )


def _tc1_body(degA, degB, x, dinv_o, hs1_o):
    d = degA[...] + degB[...]
    dinv = jnp.where(d > 0.0, lax.rsqrt(d), 0.0)
    dinv_o[...] = dinv
    hs1_o[pl.ds(0, _N), :] = x[...] * dinv[:_N]


def _tc1(degA, degB, x):
    return pl.pallas_call(
        _tc1_body,
        out_shape=[
            jax.ShapeDtypeStruct((_NP, 1), jnp.float32),
            jax.ShapeDtypeStruct((_NP, _C), jnp.float32),
        ],
    )(degA, degB, x)


def _tc2_body(S, dinv, hs2_o):
    ssum = S[0, pl.ds(0, _N), :] + S[1, pl.ds(0, _N), :]
    d = dinv[pl.ds(0, _N)]
    hs2_o[pl.ds(0, _N), :] = -(d * d * ssum)


def _tc2(S1, dinv):
    return pl.pallas_call(
        _tc2_body,
        out_shape=jax.ShapeDtypeStruct((_NP, _C), jnp.float32),
    )(S1, dinv)


def _tc3_body(S, dinv, x, hs2, Wc, bc, Wm, bm, gamma, beta, out_o):
    ssum = S[0, pl.ds(0, _N), :] + S[1, pl.ds(0, _N), :]
    d = dinv[pl.ds(0, _N)]
    xv = x[...]
    tx1v = hs2[pl.ds(0, _N), :] * jnp.where(d > 0.0, 1.0 / d, 0.0)
    tx2 = -2.0 * (d * ssum) - xv
    raw = (jnp.dot(xv, Wc[0], preferred_element_type=jnp.float32)
           + jnp.dot(tx1v, Wc[1], preferred_element_type=jnp.float32)
           + jnp.dot(tx2, Wc[2], preferred_element_type=jnp.float32)
           + bc[...])
    mean = jnp.sum(raw, axis=0, keepdims=True) * (1.0 / _N)
    var = jnp.sum(raw * raw, axis=0, keepdims=True) * (1.0 / _N) - mean * mean
    inv = lax.rsqrt(var + _EPS)
    y = (raw - mean) * inv * gamma[...] + beta[...]
    ident = jnp.dot(xv, Wm[...], preferred_element_type=jnp.float32) + bm[...]
    out_o[...] = jnp.maximum(y, 0.0) + ident


def _tc3(S2, dinv, x, hs2, W_cheb, b_cheb, W_match, b_match, gamma, beta):
    return pl.pallas_call(
        _tc3_body,
        out_shape=jax.ShapeDtypeStruct((_N, _C), jnp.float32),
        compiler_params=pltpu.CompilerParams(
            vmem_limit_bytes=100 * 1024 * 1024),
    )(S2, dinv, x, hs2, W_cheb, b_cheb, W_match, b_match, gamma, beta)


def kernel(edge_index, x, W_cheb, b_cheb, gamma, beta, W_match, b_match):
    ei = edge_index.astype(jnp.int32)
    pad = _N + (jnp.arange(_EPAD - _E, dtype=jnp.int32) % (_NP - _N))
    row2d = jnp.concatenate([ei[0], pad]).reshape(_NCHUNK, _B)
    col2d = jnp.concatenate([ei[1], pad]).reshape(_NCHUNK, _B)

    degp = _deg_kernel()(row2d)
    dinv, hs1 = _tc1(degp[:_DR].reshape(_NP, 1),
                     degp[_DR:].reshape(_NP, 1), x)
    S1 = _prop_kernel()(hs1, col2d, row2d).reshape(_NC, _NP, _C)
    hs2 = _tc2(S1, dinv)
    S2 = _prop_kernel()(hs2, col2d, row2d).reshape(_NC, _NP, _C)
    return _tc3(S2, dinv, x, hs2, W_cheb, b_cheb.reshape(1, _C),
                W_match, b_match.reshape(1, _C),
                gamma.reshape(1, _C), beta.reshape(1, _C))

# --- scband reference (transcript-rebuilt; emitter-appended) ---
"""Pipeline reference for scband-residual-gcnlayer-90958817394877 (READ-ONLY COPY).

The authoritative reference and input builder live on the scoring server;
editing this copy changes nothing except your own understanding.
"""

import jax, jax.numpy as jnp
import numpy as np

N = 10000
E = 320000
IN_C = 128
OUT_C = 128
K = 3
EPS = 1e-5


def setup_inputs(seed: int = 0) -> dict:
    key = jax.random.key(seed)
    ks = jax.random.split(key, 8)
    edge_index = jax.random.randint(ks[0], (2, E), 0, N, dtype=jnp.int64) if jax.config.jax_enable_x64 else jax.random.randint(ks[0], (2, E), 0, N, dtype=jnp.int32)
    x = jax.random.normal(ks[1], (N, IN_C), dtype=jnp.float32)
    W_cheb = jax.random.normal(ks[2], (K, IN_C, OUT_C), dtype=jnp.float32) * (1.0 / np.sqrt(IN_C))
    b_cheb = jnp.zeros((OUT_C,), dtype=jnp.float32)
    gamma = jnp.ones((OUT_C,), dtype=jnp.float32)
    beta = jnp.zeros((OUT_C,), dtype=jnp.float32)
    W_match = jax.random.normal(ks[3], (IN_C, OUT_C), dtype=jnp.float32) * (1.0 / np.sqrt(IN_C))
    b_match = jnp.zeros((OUT_C,), dtype=jnp.float32)
    return {"edge_index": edge_index, "x": x, "W_cheb": W_cheb, "b_cheb": b_cheb,
            "gamma": gamma, "beta": beta, "W_match": W_match, "b_match": b_match}


def reference(edge_index, x, W_cheb, b_cheb, gamma, beta, W_match, b_match):
    row = edge_index[0]
    col = edge_index[1]
    ew = jnp.ones((E,), dtype=jnp.float32)
    deg = jnp.zeros((N,), dtype=jnp.float32).at[row].add(ew)
    dinv = jnp.where(deg > 0, 1.0 / jnp.sqrt(deg), 0.0)
    # L_hat = 2L/lambda_max - I with lambda_max=2 (PyG ChebConv default):
    # off-diagonal weights = -d^{-1/2} A d^{-1/2}, diagonal = 0
    norm = -dinv[row] * ew * dinv[col]

    def prop(h):
        msg = h[col] * norm[:, None]
        return jnp.zeros_like(h).at[row].add(msg)

    # identity branch (match_dim linear)
    identity = x @ W_match + b_match

    # Chebyshev recurrence
    Tx0 = x
    out = Tx0 @ W_cheb[0]
    Tx1 = prop(Tx0)
    out = out + Tx1 @ W_cheb[1]
    for k in range(2, K):
        Tx2 = 2.0 * prop(Tx1) - Tx0
        out = out + Tx2 @ W_cheb[k]
        Tx0, Tx1 = Tx1, Tx2
    out = out + b_cheb

    # BatchNorm1d over node dimension (training-mode batch statistics, deterministic)
    mean = jnp.mean(out, axis=0)
    var = jnp.var(out, axis=0)
    out = (out - mean) / jnp.sqrt(var + EPS) * gamma + beta

    out = jax.nn.relu(out)
    # dropout treated as identity (eval mode)
    out = out + identity
    return out

if __name__ == "__main__":
    import jax
    _d = setup_inputs()
    print(jax.jit(kernel)(*tuple(_d.values())))

</pallas_src>

<mosaic_0001>
#map = affine_map<(d0, d1) -> (0, 0)>
module attributes {stable_mosaic.version = 14 : i64} {
  func.func @_deg_body(%arg0: i32, %arg1: i32, %arg2: memref<2560x128xi32, #tpu.memory_space<hbm>>, %arg3: memref<160x128xf32, #tpu.memory_space<hbm>>, %arg4: memref<80x128xf32, #tpu.memory_space<vmem_shared>>, %arg5: memref<80x128xi32, #tpu.memory_space<vmem>>, %arg6: memref<10240xf32, #tpu.memory_space<vmem>>, %arg7: memref<80x128xf32, #tpu.memory_space<vmem>>, %arg8: memref<1x80xi32, #tpu.memory_space<vmem>>) attributes {dimension_semantics = [#tpu.dimension_semantics<core_parallel>, #tpu.dimension_semantics<subcore_parallel>], iteration_bounds = array<i64: 2, 16>, scalar_prefetch = 0 : i64, scratch_operands = 5 : i64, tpu.core_type = #tpu.core_type<sc_vector_subcore>, window_params = [{transform_indices = #map}, {transform_indices = #map}]} {
    %scan3A = arith.constant 0 : i32
    %scan3A_0 = arith.constant 0 : i32
    %scan3A_1 = arith.constant 640 : i32
    %scan3A_2 = arith.addi %scan3A_0, %scan3A_1 : i32
    %scan3A_3 = arith.constant 1 : i32
    scf.for %scan3A_73 = %scan3A_0 to %scan3A_2 step %scan3A_3  : i32 {
      %broadcast_in_dim3A_74 = arith.constant 0.000000e+00 : f32
      %broadcast_in_dim3A_75 = vector.broadcast %broadcast_in_dim3A_74 : f32 to vector<16xf32>
      %mul3A_76 = arith.constant 16 : i32
      %mul3A_77 = arith.muli %scan3A_73, %mul3A_76 : i32
      %swap3A_78 = arith.index_cast %mul3A_77 : i32 to index
      %swap3A_79 = tpu.vector_load %arg6[%swap3A_78] {strides = array<i32>} : memref<10240xf32, #tpu.memory_space<vmem>>, vector<16xf32>,
      tpu.vector_store %arg6[%swap3A_78], %broadcast_in_dim3A_75 {strides = array<i32>} : memref<10240xf32, #tpu.memory_space<vmem>>, vector<16xf32>,
    }
    %scan3A_4 = arith.constant 640 : i32
    %iota3A = tpu.iota {dimensions = array<i32: 0>} : vector<16xi32>
    %add3A = arith.constant 0 : i32
    %add3A_5 = vector.broadcast %add3A : i32 to vector<16xi32>
    %add3A_6 = arith.addi %iota3A, %add3A_5 : vector<16xi32>
    %swap3A = arith.constant 0 : i32
    %swap3A_7 = arith.index_cast %swap3A : i32 to index
    %swap3A_8 = arith.constant 0 : index
    %swap3A_9 = tpu.vector_load %arg8[%swap3A_7, %swap3A_8] {strides = array<i32>} : memref<1x80xi32, #tpu.memory_space<vmem>>, vector<16xi32>,
    tpu.vector_store %arg8[%swap3A_7, %swap3A_8], %add3A_6 {strides = array<i32>} : memref<1x80xi32, #tpu.memory_space<vmem>>, vector<16xi32>,
    %iota3A_10 = tpu.iota {dimensions = array<i32: 0>} : vector<16xi32>
    %add3A_11 = arith.constant 16 : i32
    %add3A_12 = vector.broadcast %add3A_11 : i32 to vector<16xi32>
    %add3A_13 = arith.addi %iota3A_10, %add3A_12 : vector<16xi32>
    %swap3A_14 = arith.constant 0 : i32
    %swap3A_15 = arith.index_cast %swap3A_14 : i32 to index
    %swap3A_16 = arith.constant 16 : index
    %swap3A_17 = tpu.vector_load %arg8[%swap3A_15, %swap3A_16] {strides = array<i32>} : memref<1x80xi32, #tpu.memory_space<vmem>>, vector<16xi32>,
    tpu.vector_store %arg8[%swap3A_15, %swap3A_16], %add3A_13 {strides = array<i32>} : memref<1x80xi32, #tpu.memory_space<vmem>>, vector<16xi32>,
    %iota3A_18 = tpu.iota {dimensions = array<i32: 0>} : vector<16xi32>
    %add3A_19 = arith.constant 32 : i32
    %add3A_20 = vector.broadcast %add3A_19 : i32 to vector<16xi32>
    %add3A_21 = arith.addi %iota3A_18, %add3A_20 : vector<16xi32>
    %swap3A_22 = arith.constant 0 : i32
    %swap3A_23 = arith.index_cast %swap3A_22 : i32 to index
    %swap3A_24 = arith.constant 32 : index
    %swap3A_25 = tpu.vector_load %arg8[%swap3A_23, %swap3A_24] {strides = array<i32>} : memref<1x80xi32, #tpu.memory_space<vmem>>, vector<16xi32>,
    tpu.vector_store %arg8[%swap3A_23, %swap3A_24], %add3A_21 {strides = array<i32>} : memref<1x80xi32, #tpu.memory_space<vmem>>, vector<16xi32>,
    %iota3A_26 = tpu.iota {dimensions = array<i32: 0>} : vector<16xi32>
    %add3A_27 = arith.constant 48 : i32
    %add3A_28 = vector.broadcast %add3A_27 : i32 to vector<16xi32>
    %add3A_29 = arith.addi %iota3A_26, %add3A_28 : vector<16xi32>
    %swap3A_30 = arith.constant 0 : i32
    %swap3A_31 = arith.index_cast %swap3A_30 : i32 to index
    %swap3A_32 = arith.constant 48 : index
    %swap3A_33 = tpu.vector_load %arg8[%swap3A_31, %swap3A_32] {strides = array<i32>} : memref<1x80xi32, #tpu.memory_space<vmem>>, vector<16xi32>,
    tpu.vector_store %arg8[%swap3A_31, %swap3A_32], %add3A_29 {strides = array<i32>} : memref<1x80xi32, #tpu.memory_space<vmem>>, vector<16xi32>,
    %iota3A_34 = tpu.iota {dimensions = array<i32: 0>} : vector<16xi32>
    %add3A_35 = arith.constant 64 : i32
    %add3A_36 = vector.broadcast %add3A_35 : i32 to vector<16xi32>
    %add3A_37 = arith.addi %iota3A_34, %add3A_36 : vector<16xi32>
    %swap3A_38 = arith.constant 0 : i32
    %swap3A_39 = arith.index_cast %swap3A_38 : i32 to index
    %swap3A_40 = arith.constant 64 : index
    %swap3A_41 = tpu.vector_load %arg8[%swap3A_39, %swap3A_40] {strides = array<i32>} : memref<1x80xi32, #tpu.memory_space<vmem>>, vector<16xi32>,
    tpu.vector_store %arg8[%swap3A_39, %swap3A_40], %add3A_37 {strides = array<i32>} : memref<1x80xi32, #tpu.memory_space<vmem>>, vector<16xi32>,
    %scan3A_42 = arith.constant 0 : i32
    %scan3A_43 = arith.constant 0 : i32
    %scan3A_44 = arith.constant 8 : i32
    %scan3A_45 = arith.addi %scan3A_43, %scan3A_44 : i32
    %scan3A_46 = arith.constant 1 : i32
    scf.for %scan3A_73 = %scan3A_43 to %scan3A_45 step %scan3A_46  : i32 {
      %broadcast_in_dim3A_74 = arith.constant 0.000000e+00 : f32
      %broadcast_in_dim3A_75 = vector.broadcast %broadcast_in_dim3A_74 : f32 to vector<16xf32>
      %swap3A_76 = arith.index_cast %scan3A_73 : i32 to index
      %swap3A_77 = arith.constant 0 : index
      %swap3A_78 = tpu.vector_load %arg7[%swap3A_76, %swap3A_77] {strides = array<i32>} : memref<80x128xf32, #tpu.memory_space<vmem>>, vector<16xf32>,
      tpu.vector_store %arg7[%swap3A_76, %swap3A_77], %broadcast_in_dim3A_75 {strides = array<i32>} : memref<80x128xf32, #tpu.memory_space<vmem>>, vector<16xf32>,
      %broadcast_in_dim3A_79 = arith.constant 0.000000e+00 : f32
      %broadcast_in_dim3A_80 = vector.broadcast %broadcast_in_dim3A_79 : f32 to vector<16xf32>
      %swap3A_81 = arith.index_cast %scan3A_73 : i32 to index
      %swap3A_82 = arith.constant 16 : index
      %swap3A_83 = tpu.vector_load %arg7[%swap3A_81, %swap3A_82] {strides = array<i32>} : memref<80x128xf32, #tpu.memory_space<vmem>>, vector<16xf32>,
      tpu.vector_store %arg7[%swap3A_81, %swap3A_82], %broadcast_in_dim3A_80 {strides = array<i32>} : memref<80x128xf32, #tpu.memory_space<vmem>>, vector<16xf32>,
      %broadcast_in_dim3A_84 = arith.constant 0.000000e+00 : f32
      %broadcast_in_dim3A_85 = vector.broadcast %broadcast_in_dim3A_84 : f32 to vector<16xf32>
      %swap3A_86 = arith.index_cast %scan3A_73 : i32 to index
      %swap3A_87 = arith.constant 32 : index
      %swap3A_88 = tpu.vector_load %arg7[%swap3A_86, %swap3A_87] {strides = array<i32>} : memref<80x128xf32, #tpu.memory_space<vmem>>, vector<16xf32>,
      tpu.vector_store %arg7[%swap3A_86, %swap3A_87], %broadcast_in_dim3A_85 {strides = array<i32>} : memref<80x128xf32, #tpu.memory_space<vmem>>, vector<16xf32>,
      %broadcast_in_dim3A_89 = arith.constant 0.000000e+00 : f32
      %broadcast_in_dim3A_90 = vector.broadcast %broadcast_in_dim3A_89 : f32 to vector<16xf32>
      %swap3A_91 = arith.index_cast %scan3A_73 : i32 to index
      %swap3A_92 = arith.constant 48 : index
      %swap3A_93 = tpu.vector_load %arg7[%swap3A_91, %swap3A_92] {strides = array<i32>} : memref<80x128xf32, #tpu.memory_space<vmem>>, vector<16xf32>,
      tpu.vector_store %arg7[%swap3A_91, %swap3A_92], %broadcast_in_dim3A_90 {strides = array<i32>} : memref<80x128xf32, #tpu.memory_space<vmem>>, vector<16xf32>,
      %broadcast_in_dim3A_94 = arith.constant 0.000000e+00 : f32
      %broadcast_in_dim3A_95 = vector.broadcast %broadcast_in_dim3A_94 : f32 to vector<16xf32>
      %swap3A_96 = arith.index_cast %scan3A_73 : i32 to index
      %swap3A_97 = arith.constant 64 : index
      %swap3A_98 = tpu.vector_load %arg7[%swap3A_96, %swap3A_97] {strides = array<i32>} : memref<80x128xf32, #tpu.memory_space<vmem>>, vector<16xf32>,
      tpu.vector_store %arg7[%swap3A_96, %swap3A_97], %broadcast_in_dim3A_95 {strides = array<i32>} : memref<80x128xf32, #tpu.memory_space<vmem>>, vector<16xf32>,
      %broadcast_in_dim3A_99 = arith.constant 0.000000e+00 : f32
      %broadcast_in_dim3A_100 = vector.broadcast %broadcast_in_dim3A_99 : f32 to vector<16xf32>
      %swap3A_101 = arith.index_cast %scan3A_73 : i32 to index
      %swap3A_102 = arith.constant 80 : index
      %swap3A_103 = tpu.vector_load %arg7[%swap3A_101, %swap3A_102] {strides = array<i32>} : memref<80x128xf32, #tpu.memory_space<vmem>>, vector<16xf32>,
      tpu.vector_store %arg7[%swap3A_101, %swap3A_102], %broadcast_in_dim3A_100 {strides = array<i32>} : memref<80x128xf32, #tpu.memory_space<vmem>>, vector<16xf32>,
      %broadcast_in_dim3A_104 = arith.constant 0.000000e+00 : f32
      %broadcast_in_dim3A_105 = vector.broadcast %broadcast_in_dim3A_104 : f32 to vector<16xf32>
      %swap3A_106 = arith.index_cast %scan3A_73 : i32 to index
      %swap3A_107 = arith.constant 96 : index
      %swap3A_108 = tpu.vector_load %arg7[%swap3A_106, %swap3A_107] {strides = array<i32>} : memref<80x128xf32, #tpu.memory_space<vmem>>, vector<16xf32>,
      tpu.vector_store %arg7[%swap3A_106, %swap3A_107], %broadcast_in_dim3A_105 {strides = array<i32>} : memref<80x128xf32, #tpu.memory_space<vmem>>, vector<16xf32>,
      %broadcast_in_dim3A_109 = arith.constant 0.000000e+00 : f32
      %broadcast_in_dim3A_110 = vector.broadcast %broadcast_in_dim3A_109 : f32 to vector<16xf32>
      %swap3A_111 = arith.index_cast %scan3A_73 : i32 to index
      %swap3A_112 = arith.constant 112 : index
      %swap3A_113 = tpu.vector_load %arg7[%swap3A_111, %swap3A_112] {strides = array<i32>} : memref<80x128xf32, #tpu.memory_space<vmem>>, vector<16xf32>,
      tpu.vector_store %arg7[%swap3A_111, %swap3A_112], %broadcast_in_dim3A_110 {strides = array<i32>} : memref<80x128xf32, #tpu.memory_space<vmem>>, vector<16xf32>,
    }
    %scan3A_47 = arith.constant 8 : i32
    %lt3A = arith.constant 10 : i32
    %lt3A_48 = arith.cmpi slt, %arg1, %lt3A : i32
    %convert_element_type3A = arith.extui %lt3A_48 : i1 to i32
    %cond3A = arith.constant 0 : i32
    %cond3A_49 = arith.cmpi ne, %convert_element_type3A, %cond3A : i32
    scf.if %cond3A_49 {
      %mul3A_73 = arith.constant 8 : i32
      %mul3A_74 = arith.muli %arg1, %mul3A_73 : i32
      "tpu.region"() ({
        %run_scoped3A_75 = tpu.sem_alloc : memref<!tpu.dma_semaphore, #tpu.memory_space<semaphore_mem>>
        %dma_start3A = arith.constant 0 : i32
        %dma_start3A_76 = arith.constant 0 : i32
        %dma_start3A_77 = tpu.memref_slice %arg7[%dma_start3A, %dma_start3A_76] : memref<80x128xf32, #tpu.memory_space<vmem>> -> memref<8x128xf32, #tpu.memory_space<vmem>>
        %dma_start3A_78 = arith.constant 0 : i32
        %dma_start3A_79 = tpu.memref_slice %arg4[%mul3A_74, %dma_start3A_78] : memref<80x128xf32, #tpu.memory_space<vmem_shared>> -> memref<8x128xf32, #tpu.memory_space<vmem_shared>>
        %dma_start3A_80 = arith.constant 0 : i32
        %dma_start3A_81 = tpu.memref_slice %arg4[%mul3A_74, %dma_start3A_80] : memref<80x128xf32, #tpu.memory_space<vmem_shared>> -> memref<8x128xf32, #tpu.memory_space<vmem_shared>>
        %dma_start3A_82 = arith.constant 0 : i32
        %dma_start3A_83 = arith.constant 0 : i32
        %dma_start3A_84 = tpu.memref_slice %arg7[%dma_start3A_82, %dma_start3A_83] : memref<80x128xf32, #tpu.memory_space<vmem>> -> memref<8x128xf32, #tpu.memory_space<vmem>>
        tpu.enqueue_dma source(%dma_start3A_84 : memref<8x128xf32, #tpu.memory_space<vmem>>) target(%dma_start3A_81 : memref<8x128xf32, #tpu.memory_space<vmem_shared>>) target_semaphore(%run_scoped3A_75 : memref<!tpu.dma_semaphore, #tpu.memory_space<semaphore_mem>>)
        %dma_wait3A = arith.constant 0 : i32
        %dma_wait3A_85 = arith.constant 0 : i32
        %dma_wait3A_86 = tpu.memref_slice %arg7[%dma_wait3A, %dma_wait3A_85] : memref<80x128xf32, #tpu.memory_space<vmem>> -> memref<8x128xf32, #tpu.memory_space<vmem>>
        %dma_wait3A_87 = arith.constant 0 : i32
        %dma_wait3A_88 = tpu.memref_slice %arg4[%mul3A_74, %dma_wait3A_87] : memref<80x128xf32, #tpu.memory_space<vmem_shared>> -> memref<8x128xf32, #tpu.memory_space<vmem_shared>>
        %dma_wait3A_89 = arith.constant 0 : i32
        %dma_wait3A_90 = tpu.memref_slice %arg4[%mul3A_74, %dma_wait3A_89] : memref<80x128xf32, #tpu.memory_space<vmem_shared>> -> memref<8x128xf32, #tpu.memory_space<vmem_shared>>
        %dma_wait3A_91 = arith.constant 0 : i32
        %dma_wait3A_92 = arith.constant 0 : i32
        %dma_wait3A_93 = tpu.memref_slice %arg7[%dma_wait3A_91, %dma_wait3A_92] : memref<80x128xf32, #tpu.memory_space<vmem>> -> memref<8x128xf32, #tpu.memory_space<vmem>>
        tpu.wait_dma2 semaphore(%run_scoped3A_75 : memref<!tpu.dma_semaphore, #tpu.memory_space<semaphore_mem>>) src(%dma_wait3A_93 : memref<8x128xf32, #tpu.memory_space<vmem>>) dst(%dma_wait3A_90 : memref<8x128xf32, #tpu.memory_space<vmem_shared>>)
        tpu.yield
      }) : () -> ()
    } else {
    }
    %mul3A = arith.constant 16 : i32
    %mul3A_50 = arith.muli %arg0, %mul3A : i32
    %add3A_51 = arith.addi %mul3A_50, %arg1 : i32
    %mul3A_52 = arith.constant 80 : i32
    %mul3A_53 = arith.muli %add3A_51, %mul3A_52 : i32
    "tpu.region"() ({
      %run_scoped3A_73 = tpu.sem_alloc : memref<!tpu.dma_semaphore, #tpu.memory_space<semaphore_mem>>
      %dma_start3A = arith.constant 0 : i32
      %dma_start3A_74 = tpu.memref_slice %arg2[%mul3A_53, %dma_start3A] : memref<2560x128xi32, #tpu.memory_space<hbm>> -> memref<80x128xi32, #tpu.memory_space<hbm>>
      %dma_start3A_75 = arith.constant 0 : i32
      %dma_start3A_76 = tpu.memref_slice %arg2[%mul3A_53, %dma_start3A_75] : memref<2560x128xi32, #tpu.memory_space<hbm>> -> memref<80x128xi32, #tpu.memory_space<hbm>>
      tpu.enqueue_dma source(%dma_start3A_76 : memref<80x128xi32, #tpu.memory_space<hbm>>) target(%arg5 : memref<80x128xi32, #tpu.memory_space<vmem>>) target_semaphore(%run_scoped3A_73 : memref<!tpu.dma_semaphore, #tpu.memory_space<semaphore_mem>>)
      %dma_wait3A = arith.constant 0 : i32
      %dma_wait3A_77 = tpu.memref_slice %arg2[%mul3A_53, %dma_wait3A] : memref<2560x128xi32, #tpu.memory_space<hbm>> -> memref<80x128xi32, #tpu.memory_space<hbm>>
      %dma_wait3A_78 = arith.constant 0 : i32
      %dma_wait3A_79 = tpu.memref_slice %arg2[%mul3A_53, %dma_wait3A_78] : memref<2560x128xi32, #tpu.memory_space<hbm>> -> memref<80x128xi32, #tpu.memory_space<hbm>>
      tpu.wait_dma2 semaphore(%run_scoped3A_73 : memref<!tpu.dma_semaphore, #tpu.memory_space<semaphore_mem>>) src(%dma_wait3A_79 : memref<80x128xi32, #tpu.memory_space<hbm>>) dst(%arg5 : memref<80x128xi32, #tpu.memory_space<vmem>>)
      tpu.yield
    }) : () -> ()
    %barrier3A = arith.constant 0 : index
    tpu.barrier barrier_id(%barrier3A)
    %broadcast_in_dim3A = arith.constant 1.000000e+00 : f32
    %broadcast_in_dim3A_54 = vector.broadcast %broadcast_in_dim3A : f32 to vector<16xf32>
    %scan3A_55 = arith.constant 0 : i32
    %scan3A_56 = arith.constant 0 : i32
    %scan3A_57 = arith.constant 80 : i32
    %scan3A_58 = arith.addi %scan3A_56, %scan3A_57 : i32
    %scan3A_59 = arith.constant 1 : i32
    scf.for %scan3A_73 = %scan3A_56 to %scan3A_58 step %scan3A_59  : i32 {
      %get3A = arith.index_cast %scan3A_73 : i32 to index
      %get3A_74 = arith.constant 0 : index
      %get3A_75 = tpu.vector_load %arg5[%get3A, %get3A_74] {strides = array<i32>} : memref<80x128xi32, #tpu.memory_space<vmem>>, vector<16xi32>,
      tpu.vector_store_idx %arg6[%get3A_75], %broadcast_in_dim3A_54 {add = true} : memref<10240xf32, #tpu.memory_space<vmem>>[vector<16xi32>], vector<16xf32>,
      %get3A_76 = arith.index_cast %scan3A_73 : i32 to index
      %get3A_77 = arith.constant 16 : index
      %get3A_78 = tpu.vector_load %arg5[%get3A_76, %get3A_77] {strides = array<i32>} : memref<80x128xi32, #tpu.memory_space<vmem>>, vector<16xi32>,
      tpu.vector_store_idx %arg6[%get3A_78], %broadcast_in_dim3A_54 {add = true} : memref<10240xf32, #tpu.memory_space<vmem>>[vector<16xi32>], vector<16xf32>,
      %get3A_79 = arith.index_cast %scan3A_73 : i32 to index
      %get3A_80 = arith.constant 32 : index
      %get3A_81 = tpu.vector_load %arg5[%get3A_79, %get3A_80] {strides = array<i32>} : memref<80x128xi32, #tpu.memory_space<vmem>>, vector<16xi32>,
      tpu.vector_store_idx %arg6[%get3A_81], %broadcast_in_dim3A_54 {add = true} : memref<10240xf32, #tpu.memory_space<vmem>>[vector<16xi32>], vector<16xf32>,
      %get3A_82 = arith.index_cast %scan3A_73 : i32 to index
      %get3A_83 = arith.constant 48 : index
      %get3A_84 = tpu.vector_load %arg5[%get3A_82, %get3A_83] {strides = array<i32>} : memref<80x128xi32, #tpu.memory_space<vmem>>, vector<16xi32>,
      tpu.vector_store_idx %arg6[%get3A_84], %broadcast_in_dim3A_54 {add = true} : memref<10240xf32, #tpu.memory_space<vmem>>[vector<16xi32>], vector<16xf32>,
      %get3A_85 = arith.index_cast %scan3A_73 : i32 to index
      %get3A_86 = arith.constant 64 : index
      %get3A_87 = tpu.vector_load %arg5[%get3A_85, %get3A_86] {strides = array<i32>} : memref<80x128xi32, #tpu.memory_space<vmem>>, vector<16xi32>,
      tpu.vector_store_idx %arg6[%get3A_87], %broadcast_in_dim3A_54 {add = true} : memref<10240xf32, #tpu.memory_space<vmem>>[vector<16xi32>], vector<16xf32>,
      %get3A_88 = arith.index_cast %scan3A_73 : i32 to index
      %get3A_89 = arith.constant 80 : index
      %get3A_90 = tpu.vector_load %arg5[%get3A_88, %get3A_89] {strides = array<i32>} : memref<80x128xi32, #tpu.memory_space<vmem>>, vector<16xi32>,
      tpu.vector_store_idx %arg6[%get3A_90], %broadcast_in_dim3A_54 {add = true} : memref<10240xf32, #tpu.memory_space<vmem>>[vector<16xi32>], vector<16xf32>,
      %get3A_91 = arith.index_cast %scan3A_73 : i32 to index
      %get3A_92 = arith.constant 96 : index
      %get3A_93 = tpu.vector_load %arg5[%get3A_91, %get3A_92] {strides = array<i32>} : memref<80x128xi32, #tpu.memory_space<vmem>>, vector<16xi32>,
      tpu.vector_store_idx %arg6[%get3A_93], %broadcast_in_dim3A_54 {add = true} : memref<10240xf32, #tpu.memory_space<vmem>>[vector<16xi32>], vector<16xf32>,
      %get3A_94 = arith.index_cast %scan3A_73 : i32 to index
      %get3A_95 = arith.constant 112 : index
      %get3A_96 = tpu.vector_load %arg5[%get3A_94, %get3A_95] {strides = array<i32>} : memref<80x128xi32, #tpu.memory_space<vmem>>, vector<16xi32>,
      tpu.vector_store_idx %arg6[%get3A_96], %broadcast_in_dim3A_54 {add = true} : memref<10240xf32, #tpu.memory_space<vmem>>[vector<16xi32>], vector<16xf32>,
    }
    %scan3A_60 = arith.constant 80 : i32
    %scan3A_61 = arith.constant 0 : i32
    %scan3A_62 = arith.constant 0 : i32
    %scan3A_63 = arith.constant 80 : i32
    %scan3A_64 = arith.addi %scan3A_62, %scan3A_63 : i32
    %scan3A_65 = arith.constant 1 : i32
    scf.for %scan3A_73 = %scan3A_62 to %scan3A_64 step %scan3A_65  : i32 {
      %mul3A_74 = arith.constant 128 : i32
      %mul3A_75 = arith.muli %scan3A_73, %mul3A_74 : i32
      %add3A_76 = arith.constant 0 : i32
      %add3A_77 = arith.addi %mul3A_75, %add3A_76 : i32
      %get3A = arith.index_cast %add3A_77 : i32 to index
      %get3A_78 = tpu.vector_load %arg6[%get3A] {strides = array<i32>} : memref<10240xf32, #tpu.memory_space<vmem>>, vector<16xf32>,
      %swap3A_79 = arith.index_cast %scan3A_73 : i32 to index
      %swap3A_80 = arith.constant 0 : index
      %swap3A_81 = tpu.vector_load %arg7[%swap3A_79, %swap3A_80] {strides = array<i32>} : memref<80x128xf32, #tpu.memory_space<vmem>>, vector<16xf32>,
      tpu.vector_store %arg7[%swap3A_79, %swap3A_80], %get3A_78 {strides = array<i32>} : memref<80x128xf32, #tpu.memory_space<vmem>>, vector<16xf32>,
      %mul3A_82 = arith.constant 128 : i32
      %mul3A_83 = arith.muli %scan3A_73, %mul3A_82 : i32
      %add3A_84 = arith.constant 16 : i32
      %add3A_85 = arith.addi %mul3A_83, %add3A_84 : i32
      %get3A_86 = arith.index_cast %add3A_85 : i32 to index
      %get3A_87 = tpu.vector_load %arg6[%get3A_86] {strides = array<i32>} : memref<10240xf32, #tpu.memory_space<vmem>>, vector<16xf32>,
      %swap3A_88 = arith.index_cast %scan3A_73 : i32 to index
      %swap3A_89 = arith.constant 16 : index
      %swap3A_90 = tpu.vector_load %arg7[%swap3A_88, %swap3A_89] {strides = array<i32>} : memref<80x128xf32, #tpu.memory_space<vmem>>, vector<16xf32>,
      tpu.vector_store %arg7[%swap3A_88, %swap3A_89], %get3A_87 {strides = array<i32>} : memref<80x128xf32, #tpu.memory_space<vmem>>, vector<16xf32>,
      %mul3A_91 = arith.constant 128 : i32
      %mul3A_92 = arith.muli %scan3A_73, %mul3A_91 : i32
      %add3A_93 = arith.constant 32 : i32
      %add3A_94 = arith.addi %mul3A_92, %add3A_93 : i32
      %get3A_95 = arith.index_cast %add3A_94 : i32 to index
      %get3A_96 = tpu.vector_load %arg6[%get3A_95] {strides = array<i32>} : memref<10240xf32, #tpu.memory_space<vmem>>, vector<16xf32>,
      %swap3A_97 = arith.index_cast %scan3A_73 : i32 to index
      %swap3A_98 = arith.constant 32 : index
      %swap3A_99 = tpu.vector_load %arg7[%swap3A_97, %swap3A_98] {strides = array<i32>} : memref<80x128xf32, #tpu.memory_space<vmem>>, vector<16xf32>,
      tpu.vector_store %arg7[%swap3A_97, %swap3A_98], %get3A_96 {strides = array<i32>} : memref<80x128xf32, #tpu.memory_space<vmem>>, vector<16xf32>,
      %mul3A_100 = arith.constant 128 : i32
      %mul3A_101 = arith.muli %scan3A_73, %mul3A_100 : i32
      %add3A_102 = arith.constant 48 : i32
      %add3A_103 = arith.addi %mul3A_101, %add3A_102 : i32
      %get3A_104 = arith.index_cast %add3A_103 : i32 to index
      %get3A_105 = tpu.vector_load %arg6[%get3A_104] {strides = array<i32>} : memref<10240xf32, #tpu.memory_space<vmem>>, vector<16xf32>,
      %swap3A_106 = arith.index_cast %scan3A_73 : i32 to index
      %swap3A_107 = arith.constant 48 : index
      %swap3A_108 = tpu.vector_load %arg7[%swap3A_106, %swap3A_107] {strides = array<i32>} : memref<80x128xf32, #tpu.memory_space<vmem>>, vector<16xf32>,
      tpu.vector_store %arg7[%swap3A_106, %swap3A_107], %get3A_105 {strides = array<i32>} : memref<80x128xf32, #tpu.memory_space<vmem>>, vector<16xf32>,
      %mul3A_109 = arith.constant 128 : i32
      %mul3A_110 = arith.muli %scan3A_73, %mul3A_109 : i32
      %add3A_111 = arith.constant 64 : i32
      %add3A_112 = arith.addi %mul3A_110, %add3A_111 : i32
      %get3A_113 = arith.index_cast %add3A_112 : i32 to index
      %get3A_114 = tpu.vector_load %arg6[%get3A_113] {strides = array<i32>} : memref<10240xf32, #tpu.memory_space<vmem>>, vector<16xf32>,
      %swap3A_115 = arith.index_cast %scan3A_73 : i32 to index
      %swap3A_116 = arith.constant 64 : index
      %swap3A_117 = tpu.vector_load %arg7[%swap3A_115, %swap3A_116] {strides = array<i32>} : memref<80x128xf32, #tpu.memory_space<vmem>>, vector<16xf32>,
      tpu.vector_store %arg7[%swap3A_115, %swap3A_116], %get3A_114 {strides = array<i32>} : memref<80x128xf32, #tpu.memory_space<vmem>>, vector<16xf32>,
      %mul3A_118 = arith.constant 128 : i32
      %mul3A_119 = arith.muli %scan3A_73, %mul3A_118 : i32
      %add3A_120 = arith.constant 80 : i32
      %add3A_121 = arith.addi %mul3A_119, %add3A_120 : i32
      %get3A_122 = arith.index_cast %add3A_121 : i32 to index
      %get3A_123 = tpu.vector_load %arg6[%get3A_122] {strides = array<i32>} : memref<10240xf32, #tpu.memory_space<vmem>>, vector<16xf32>,
      %swap3A_124 = arith.index_cast %scan3A_73 : i32 to index
      %swap3A_125 = arith.constant 80 : index
      %swap3A_126 = tpu.vector_load %arg7[%swap3A_124, %swap3A_125] {strides = array<i32>} : memref<80x128xf32, #tpu.memory_space<vmem>>, vector<16xf32>,
      tpu.vector_store %arg7[%swap3A_124, %swap3A_125], %get3A_123 {strides = array<i32>} : memref<80x128xf32, #tpu.memory_space<vmem>>, vector<16xf32>,
      %mul3A_127 = arith.constant 128 : i32
      %mul3A_128 = arith.muli %scan3A_73, %mul3A_127 : i32
      %add3A_129 = arith.constant 96 : i32
      %add3A_130 = arith.addi %mul3A_128, %add3A_129 : i32
      %get3A_131 = arith.index_cast %add3A_130 : i32 to index
      %get3A_132 = tpu.vector_load %arg6[%get3A_131] {strides = array<i32>} : memref<10240xf32, #tpu.memory_space<vmem>>, vector<16xf32>,
      %swap3A_133 = arith.index_cast %scan3A_73 : i32 to index
      %swap3A_134 = arith.constant 96 : index
      %swap3A_135 = tpu.vector_load %arg7[%swap3A_133, %swap3A_134] {strides = array<i32>} : memref<80x128xf32, #tpu.memory_space<vmem>>, vector<16xf32>,
      tpu.vector_store %arg7[%swap3A_133, %swap3A_134], %get3A_132 {strides = array<i32>} : memref<80x128xf32, #tpu.memory_space<vmem>>, vector<16xf32>,
      %mul3A_136 = arith.constant 128 : i32
      %mul3A_137 = arith.muli %scan3A_73, %mul3A_136 : i32
      %add3A_138 = arith.constant 112 : i32
      %add3A_139 = arith.addi %mul3A_137, %add3A_138 : i32
      %get3A_140 = arith.index_cast %add3A_139 : i32 to index
      %get3A_141 = tpu.vector_load %arg6[%get3A_140] {strides = array<i32>} : memref<10240xf32, #tpu.memory_space<vmem>>, vector<16xf32>,
      %swap3A_142 = arith.index_cast %scan3A_73 : i32 to index
      %swap3A_143 = arith.constant 112 : index
      %swap3A_144 = tpu.vector_load %arg7[%swap3A_142, %swap3A_143] {strides = array<i32>} : memref<80x128xf32, #tpu.memory_space<vmem>>, vector<16xf32>,
      tpu.vector_store %arg7[%swap3A_142, %swap3A_143], %get3A_141 {strides = array<i32>} : memref<80x128xf32, #tpu.memory_space<vmem>>, vector<16xf32>,
    }
    %scan3A_66 = arith.constant 80 : i32
    %run_scoped3A = arith.constant 0 : i32
    "tpu.region"() ({
      %run_scoped3A_73 = tpu.sem_alloc : memref<!tpu.dma_semaphore, #tpu.memory_space<semaphore_mem>>
      %dma_start3A = arith.constant 0 : i32
      %dma_start3A_74 = tpu.memref_slice %arg8[%run_scoped3A, %dma_start3A] : memref<1x80xi32, #tpu.memory_space<vmem>> -> memref<1x80xi32, #tpu.memory_space<vmem>>
      %dma_start3A_75 = tpu.memref_squeeze %dma_start3A_74 : memref<1x80xi32, #tpu.memory_space<vmem>> -> memref<80xi32, #tpu.memory_space<vmem>>
      %dma_start3A_76 = arith.constant 0 : i32
      %dma_start3A_77 = arith.constant 0 : i32
      %dma_start3A_78 = tpu.memref_slice %arg4[%dma_start3A_76, %dma_start3A_77] : memref<80x128xf32, #tpu.memory_space<vmem_shared>> -> memref<80x128xf32, #tpu.memory_space<vmem_shared>>
      tpu.enqueue_indirect_dma source(%arg7 : memref<80x128xf32, #tpu.memory_space<vmem>>) target(%dma_start3A_78 : memref<80x128xf32, #tpu.memory_space<vmem_shared>>) offsets(%dma_start3A_75 : memref<80xi32, #tpu.memory_space<vmem>>) semaphore(%run_scoped3A_73 : memref<!tpu.dma_semaphore, #tpu.memory_space<semaphore_mem>>) {add = true}
      %dma_wait3A = arith.constant 0 : i32
      %dma_wait3A_79 = tpu.memref_slice %arg8[%run_scoped3A, %dma_wait3A] : memref<1x80xi32, #tpu.memory_space<vmem>> -> memref<1x80xi32, #tpu.memory_space<vmem>>
      %dma_wait3A_80 = tpu.memref_squeeze %dma_wait3A_79 : memref<1x80xi32, #tpu.memory_space<vmem>> -> memref<80xi32, #tpu.memory_space<vmem>>
      %dma_wait3A_81 = arith.constant 0 : i32
      %dma_wait3A_82 = arith.constant 0 : i32
      %dma_wait3A_83 = tpu.memref_slice %arg4[%dma_wait3A_81, %dma_wait3A_82] : memref<80x128xf32, #tpu.memory_space<vmem_shared>> -> memref<80x128xf32, #tpu.memory_space<vmem_shared>>
      tpu.wait_indirect_dma semaphore(%run_scoped3A_73 : memref<!tpu.dma_semaphore, #tpu.memory_space<semaphore_mem>>) src(%arg7 : memref<80x128xf32, #tpu.memory_space<vmem>>) dst(%dma_wait3A_83 : memref<80x128xf32, #tpu.memory_space<vmem_shared>>)
      tpu.yield
    }) : () -> ()
    %barrier3A_67 = arith.constant 0 : index
    tpu.barrier barrier_id(%barrier3A_67)
    %lt3A_68 = arith.constant 10 : i32
    %lt3A_69 = arith.cmpi slt, %arg1, %lt3A_68 : i32
    %convert_element_type3A_70 = arith.extui %lt3A_69 : i1 to i32
    %cond3A_71 = arith.constant 0 : i32
    %cond3A_72 = arith.cmpi ne, %convert_element_type3A_70, %cond3A_71 : i32
    scf.if %cond3A_72 {
      %mul3A_73 = arith.constant 8 : i32
      %mul3A_74 = arith.muli %arg1, %mul3A_73 : i32
      %mul3A_75 = arith.constant 80 : i32
      %mul3A_76 = arith.muli %arg0, %mul3A_75 : i32
      %mul3A_77 = arith.constant 8 : i32
      %mul3A_78 = arith.muli %arg1, %mul3A_77 : i32
      %add3A_79 = arith.addi %mul3A_76, %mul3A_78 : i32
      "tpu.region"() ({
        %run_scoped3A_80 = tpu.sem_alloc : memref<!tpu.dma_semaphore, #tpu.memory_space<semaphore_mem>>
        %dma_start3A = arith.constant 0 : i32
        %dma_start3A_81 = tpu.memref_slice %arg3[%add3A_79, %dma_start3A] : memref<160x128xf32, #tpu.memory_space<hbm>> -> memref<8x128xf32, #tpu.memory_space<hbm>>
        %dma_start3A_82 = arith.constant 0 : i32
        %dma_start3A_83 = tpu.memref_slice %arg4[%mul3A_74, %dma_start3A_82] : memref<80x128xf32, #tpu.memory_space<vmem_shared>> -> memref<8x128xf32, #tpu.memory_space<vmem_shared>>
        tpu.enqueue_dma source(%dma_start3A_83 : memref<8x128xf32, #tpu.memory_space<vmem_shared>>) target(%dma_start3A_81 : memref<8x128xf32, #tpu.memory_space<hbm>>) target_semaphore(%run_scoped3A_80 : memref<!tpu.dma_semaphore, #tpu.memory_space<semaphore_mem>>)
        %dma_wait3A = arith.constant 0 : i32
        %dma_wait3A_84 = tpu.memref_slice %arg3[%add3A_79, %dma_wait3A] : memref<160x128xf32, #tpu.memory_space<hbm>> -> memref<8x128xf32, #tpu.memory_space<hbm>>
        %dma_wait3A_85 = arith.constant 0 : i32
        %dma_wait3A_86 = tpu.memref_slice %arg4[%mul3A_74, %dma_wait3A_85] : memref<80x128xf32, #tpu.memory_space<vmem_shared>> -> memref<8x128xf32, #tpu.memory_space<vmem_shared>>
        tpu.wait_dma2 semaphore(%run_scoped3A_80 : memref<!tpu.dma_semaphore, #tpu.memory_space<semaphore_mem>>) src(%dma_wait3A_86 : memref<8x128xf32, #tpu.memory_space<vmem_shared>>) dst(%dma_wait3A_84 : memref<8x128xf32, #tpu.memory_space<hbm>>)
        tpu.yield
      }) : () -> ()
    } else {
    }
    return
  }
}

#map = affine_map<(d0, d1) -> (0, 0)>
module attributes {stable_mosaic.version = 14 : i64} {
  func.func @_prop_body(%arg0: i32, %arg1: i32, %arg2: memref<10240x128xf32, #tpu.memory_space<hbm>>, %arg3: memref<2560x128xi32, #tpu.memory_space<hbm>>, %arg4: memref<2560x128xi32, #tpu.memory_space<hbm>>, %arg5: memref<20480x128xf32, #tpu.memory_space<hbm>>, %arg6: memref<10240x128xf32, #tpu.memory_space<vmem_shared>>, %arg7: memref<40x128xi32, #tpu.memory_space<vmem>>, %arg8: memref<40x128xi32, #tpu.memory_space<vmem>>, %arg9: memref<128x128xf32, #tpu.memory_space<vmem>>, %arg10: memref<128x128xf32, #tpu.memory_space<vmem>>, %arg11: memref<32x128xf32, #tpu.memory_space<vmem>>, %arg12: memref<!tpu.dma_semaphore, #tpu.memory_space<semaphore_mem>>, %arg13: memref<!tpu.dma_semaphore, #tpu.memory_space<semaphore_mem>>) attributes {dimension_semantics = [#tpu.dimension_semantics<core_parallel>, #tpu.dimension_semantics<subcore_parallel>], iteration_bounds = array<i64: 2, 16>, scalar_prefetch = 0 : i64, scratch_operands = 8 : i64, tpu.core_type = #tpu.core_type<sc_vector_subcore>, window_params = [{transform_indices = #map}, {transform_indices = #map}, {transform_indices = #map}, {transform_indices = #map}]} {
    %mul3A = arith.constant 16 : i32
    %mul3A_0 = arith.muli %arg0, %mul3A : i32
    %add3A = arith.addi %mul3A_0, %arg1 : i32
    %mul3A_1 = arith.constant 80 : i32
    %mul3A_2 = arith.muli %add3A, %mul3A_1 : i32
    "tpu.region"() ({
      %run_scoped3A = tpu.sem_alloc : memref<!tpu.dma_semaphore, #tpu.memory_space<semaphore_mem>>
      %dma_start3A_41 = arith.constant 0 : i32
      %dma_start3A_42 = tpu.memref_slice %arg3[%mul3A_2, %dma_start3A_41] : memref<2560x128xi32, #tpu.memory_space<hbm>> -> memref<40x128xi32, #tpu.memory_space<hbm>>
      %dma_start3A_43 = arith.constant 0 : i32
      %dma_start3A_44 = tpu.memref_slice %arg3[%mul3A_2, %dma_start3A_43] : memref<2560x128xi32, #tpu.memory_space<hbm>> -> memref<40x128xi32, #tpu.memory_space<hbm>>
      tpu.enqueue_dma source(%dma_start3A_44 : memref<40x128xi32, #tpu.memory_space<hbm>>) target(%arg7 : memref<40x128xi32, #tpu.memory_space<vmem>>) target_semaphore(%run_scoped3A : memref<!tpu.dma_semaphore, #tpu.memory_space<semaphore_mem>>)
      %dma_wait3A = arith.constant 0 : i32
      %dma_wait3A_45 = tpu.memref_slice %arg3[%mul3A_2, %dma_wait3A] : memref<2560x128xi32, #tpu.memory_space<hbm>> -> memref<40x128xi32, #tpu.memory_space<hbm>>
      %dma_wait3A_46 = arith.constant 0 : i32
      %dma_wait3A_47 = tpu.memref_slice %arg3[%mul3A_2, %dma_wait3A_46] : memref<2560x128xi32, #tpu.memory_space<hbm>> -> memref<40x128xi32, #tpu.memory_space<hbm>>
      tpu.wait_dma2 semaphore(%run_scoped3A : memref<!tpu.dma_semaphore, #tpu.memory_space<semaphore_mem>>) src(%dma_wait3A_47 : memref<40x128xi32, #tpu.memory_space<hbm>>) dst(%arg7 : memref<40x128xi32, #tpu.memory_space<vmem>>)
      tpu.yield
    }) : () -> ()
    "tpu.region"() ({
      %run_scoped3A = tpu.sem_alloc : memref<!tpu.dma_semaphore, #tpu.memory_space<semaphore_mem>>
      %dma_start3A_41 = arith.constant 0 : i32
      %dma_start3A_42 = tpu.memref_slice %arg4[%mul3A_2, %dma_start3A_41] : memref<2560x128xi32, #tpu.memory_space<hbm>> -> memref<40x128xi32, #tpu.memory_space<hbm>>
      %dma_start3A_43 = arith.constant 0 : i32
      %dma_start3A_44 = tpu.memref_slice %arg4[%mul3A_2, %dma_start3A_43] : memref<2560x128xi32, #tpu.memory_space<hbm>> -> memref<40x128xi32, #tpu.memory_space<hbm>>
      tpu.enqueue_dma source(%dma_start3A_44 : memref<40x128xi32, #tpu.memory_space<hbm>>) target(%arg8 : memref<40x128xi32, #tpu.memory_space<vmem>>) target_semaphore(%run_scoped3A : memref<!tpu.dma_semaphore, #tpu.memory_space<semaphore_mem>>)
      %dma_wait3A = arith.constant 0 : i32
      %dma_wait3A_45 = tpu.memref_slice %arg4[%mul3A_2, %dma_wait3A] : memref<2560x128xi32, #tpu.memory_space<hbm>> -> memref<40x128xi32, #tpu.memory_space<hbm>>
      %dma_wait3A_46 = arith.constant 0 : i32
      %dma_wait3A_47 = tpu.memref_slice %arg4[%mul3A_2, %dma_wait3A_46] : memref<2560x128xi32, #tpu.memory_space<hbm>> -> memref<40x128xi32, #tpu.memory_space<hbm>>
      tpu.wait_dma2 semaphore(%run_scoped3A : memref<!tpu.dma_semaphore, #tpu.memory_space<semaphore_mem>>) src(%dma_wait3A_47 : memref<40x128xi32, #tpu.memory_space<hbm>>) dst(%arg8 : memref<40x128xi32, #tpu.memory_space<vmem>>)
      tpu.yield
    }) : () -> ()
    %dma_start3A = arith.constant 0 : i32
    %dma_start3A_3 = arith.constant 0 : i32
    %dma_start3A_4 = tpu.memref_slice %arg7[%dma_start3A, %dma_start3A_3] : memref<40x128xi32, #tpu.memory_space<vmem>> -> memref<1x128xi32, #tpu.memory_space<vmem>>
    %dma_start3A_5 = tpu.memref_squeeze %dma_start3A_4 : memref<1x128xi32, #tpu.memory_space<vmem>> -> memref<128xi32, #tpu.memory_space<vmem>>
    %dma_start3A_6 = arith.constant 0 : i32
    %dma_start3A_7 = arith.constant 0 : i32
    %dma_start3A_8 = tpu.memref_slice %arg2[%dma_start3A_6, %dma_start3A_7] : memref<10240x128xf32, #tpu.memory_space<hbm>> -> memref<10240x128xf32, #tpu.memory_space<hbm>>
    tpu.enqueue_indirect_dma source(%dma_start3A_8 : memref<10240x128xf32, #tpu.memory_space<hbm>>) target(%arg9 : memref<128x128xf32, #tpu.memory_space<vmem>>) offsets(%dma_start3A_5 : memref<128xi32, #tpu.memory_space<vmem>>) semaphore(%arg12 : memref<!tpu.dma_semaphore, #tpu.memory_space<semaphore_mem>>)
    %dma_start3A_9 = arith.constant 1 : i32
    %dma_start3A_10 = arith.constant 0 : i32
    %dma_start3A_11 = tpu.memref_slice %arg7[%dma_start3A_9, %dma_start3A_10] : memref<40x128xi32, #tpu.memory_space<vmem>> -> memref<1x128xi32, #tpu.memory_space<vmem>>
    %dma_start3A_12 = tpu.memref_squeeze %dma_start3A_11 : memref<1x128xi32, #tpu.memory_space<vmem>> -> memref<128xi32, #tpu.memory_space<vmem>>
    %dma_start3A_13 = arith.constant 0 : i32
    %dma_start3A_14 = arith.constant 0 : i32
    %dma_start3A_15 = tpu.memref_slice %arg2[%dma_start3A_13, %dma_start3A_14] : memref<10240x128xf32, #tpu.memory_space<hbm>> -> memref<10240x128xf32, #tpu.memory_space<hbm>>
    tpu.enqueue_indirect_dma source(%dma_start3A_15 : memref<10240x128xf32, #tpu.memory_space<hbm>>) target(%arg10 : memref<128x128xf32, #tpu.memory_space<vmem>>) offsets(%dma_start3A_12 : memref<128xi32, #tpu.memory_space<vmem>>) semaphore(%arg13 : memref<!tpu.dma_semaphore, #tpu.memory_space<semaphore_mem>>)
    %scan3A = arith.constant 0 : i32
    %scan3A_16 = arith.constant 0 : i32
    %scan3A_17 = arith.constant 32 : i32
    %scan3A_18 = arith.addi %scan3A_16, %scan3A_17 : i32
    %scan3A_19 = arith.constant 1 : i32
    scf.for %scan3A_41 = %scan3A_16 to %scan3A_18 step %scan3A_19  : i32 {
      %broadcast_in_dim3A = arith.constant 0.000000e+00 : f32
      %broadcast_in_dim3A_42 = vector.broadcast %broadcast_in_dim3A : f32 to vector<16xf32>
      %swap3A = arith.index_cast %scan3A_41 : i32 to index
      %swap3A_43 = arith.constant 0 : index
      %swap3A_44 = tpu.vector_load %arg11[%swap3A, %swap3A_43] {strides = array<i32>} : memref<32x128xf32, #tpu.memory_space<vmem>>, vector<1x16xf32>,
      %swap3A_45 = vector.shape_cast %swap3A_44 : vector<1x16xf32> to vector<16xf32>
      %swap3A_46 = vector.shape_cast %broadcast_in_dim3A_42 : vector<16xf32> to vector<1x16xf32>
      tpu.vector_store %arg11[%swap3A, %swap3A_43], %swap3A_46 {strides = array<i32>} : memref<32x128xf32, #tpu.memory_space<vmem>>, vector<1x16xf32>,
      %broadcast_in_dim3A_47 = arith.constant 0.000000e+00 : f32
      %broadcast_in_dim3A_48 = vector.broadcast %broadcast_in_dim3A_47 : f32 to vector<16xf32>
      %swap3A_49 = arith.index_cast %scan3A_41 : i32 to index
      %swap3A_50 = arith.constant 16 : index
      %swap3A_51 = tpu.vector_load %arg11[%swap3A_49, %swap3A_50] {strides = array<i32>} : memref<32x128xf32, #tpu.memory_space<vmem>>, vector<1x16xf32>,
      %swap3A_52 = vector.shape_cast %swap3A_51 : vector<1x16xf32> to vector<16xf32>
      %swap3A_53 = vector.shape_cast %broadcast_in_dim3A_48 : vector<16xf32> to vector<1x16xf32>
      tpu.vector_store %arg11[%swap3A_49, %swap3A_50], %swap3A_53 {strides = array<i32>} : memref<32x128xf32, #tpu.memory_space<vmem>>, vector<1x16xf32>,
      %broadcast_in_dim3A_54 = arith.constant 0.000000e+00 : f32
      %broadcast_in_dim3A_55 = vector.broadcast %broadcast_in_dim3A_54 : f32 to vector<16xf32>
      %swap3A_56 = arith.index_cast %scan3A_41 : i32 to index
      %swap3A_57 = arith.constant 32 : index
      %swap3A_58 = tpu.vector_load %arg11[%swap3A_56, %swap3A_57] {strides = array<i32>} : memref<32x128xf32, #tpu.memory_space<vmem>>, vector<1x16xf32>,
      %swap3A_59 = vector.shape_cast %swap3A_58 : vector<1x16xf32> to vector<16xf32>
      %swap3A_60 = vector.shape_cast %broadcast_in_dim3A_55 : vector<16xf32> to vector<1x16xf32>
      tpu.vector_store %arg11[%swap3A_56, %swap3A_57], %swap3A_60 {strides = array<i32>} : memref<32x128xf32, #tpu.memory_space<vmem>>, vector<1x16xf32>,
      %broadcast_in_dim3A_61 = arith.constant 0.000000e+00 : f32
      %broadcast_in_dim3A_62 = vector.broadcast %broadcast_in_dim3A_61 : f32 to vector<16xf32>
      %swap3A_63 = arith.index_cast %scan3A_41 : i32 to index
      %swap3A_64 = arith.constant 48 : index
      %swap3A_65 = tpu.vector_load %arg11[%swap3A_63, %swap3A_64] {strides = array<i32>} : memref<32x128xf32, #tpu.memory_space<vmem>>, vector<1x16xf32>,
      %swap3A_66 = vector.shape_cast %swap3A_65 : vector<1x16xf32> to vector<16xf32>
      %swap3A_67 = vector.shape_cast %broadcast_in_dim3A_62 : vector<16xf32> to vector<1x16xf32>
      tpu.vector_store %arg11[%swap3A_63, %swap3A_64], %swap3A_67 {strides = array<i32>} : memref<32x128xf32, #tpu.memory_space<vmem>>, vector<1x16xf32>,
      %broadcast_in_dim3A_68 = arith.constant 0.000000e+00 : f32
      %broadcast_in_dim3A_69 = vector.broadcast %broadcast_in_dim3A_68 : f32 to vector<16xf32>
      %swap3A_70 = arith.index_cast %scan3A_41 : i32 to index
      %swap3A_71 = arith.constant 64 : index
      %swap3A_72 = tpu.vector_load %arg11[%swap3A_70, %swap3A_71] {strides = array<i32>} : memref<32x128xf32, #tpu.memory_space<vmem>>, vector<1x16xf32>,
      %swap3A_73 = vector.shape_cast %swap3A_72 : vector<1x16xf32> to vector<16xf32>
      %swap3A_74 = vector.shape_cast %broadcast_in_dim3A_69 : vector<16xf32> to vector<1x16xf32>
      tpu.vector_store %arg11[%swap3A_70, %swap3A_71], %swap3A_74 {strides = array<i32>} : memref<32x128xf32, #tpu.memory_space<vmem>>, vector<1x16xf32>,
      %broadcast_in_dim3A_75 = arith.constant 0.000000e+00 : f32
      %broadcast_in_dim3A_76 = vector.broadcast %broadcast_in_dim3A_75 : f32 to vector<16xf32>
      %swap3A_77 = arith.index_cast %scan3A_41 : i32 to index
      %swap3A_78 = arith.constant 80 : index
      %swap3A_79 = tpu.vector_load %arg11[%swap3A_77, %swap3A_78] {strides = array<i32>} : memref<32x128xf32, #tpu.memory_space<vmem>>, vector<1x16xf32>,
      %swap3A_80 = vector.shape_cast %swap3A_79 : vector<1x16xf32> to vector<16xf32>
      %swap3A_81 = vector.shape_cast %broadcast_in_dim3A_76 : vector<16xf32> to vector<1x16xf32>
      tpu.vector_store %arg11[%swap3A_77, %swap3A_78], %swap3A_81 {strides = array<i32>} : memref<32x128xf32, #tpu.memory_space<vmem>>, vector<1x16xf32>,
      %broadcast_in_dim3A_82 = arith.constant 0.000000e+00 : f32
      %broadcast_in_dim3A_83 = vector.broadcast %broadcast_in_dim3A_82 : f32 to vector<16xf32>
      %swap3A_84 = arith.index_cast %scan3A_41 : i32 to index
      %swap3A_85 = arith.constant 96 : index
      %swap3A_86 = tpu.vector_load %arg11[%swap3A_84, %swap3A_85] {strides = array<i32>} : memref<32x128xf32, #tpu.memory_space<vmem>>, vector<1x16xf32>,
      %swap3A_87 = vector.shape_cast %swap3A_86 : vector<1x16xf32> to vector<16xf32>
      %swap3A_88 = vector.shape_cast %broadcast_in_dim3A_83 : vector<16xf32> to vector<1x16xf32>
      tpu.vector_store %arg11[%swap3A_84, %swap3A_85], %swap3A_88 {strides = array<i32>} : memref<32x128xf32, #tpu.memory_space<vmem>>, vector<1x16xf32>,
      %broadcast_in_dim3A_89 = arith.constant 0.000000e+00 : f32
      %broadcast_in_dim3A_90 = vector.broadcast %broadcast_in_dim3A_89 : f32 to vector<16xf32>
      %swap3A_91 = arith.index_cast %scan3A_41 : i32 to index
      %swap3A_92 = arith.constant 112 : index
      %swap3A_93 = tpu.vector_load %arg11[%swap3A_91, %swap3A_92] {strides = array<i32>} : memref<32x128xf32, #tpu.memory_space<vmem>>, vector<1x16xf32>,
      %swap3A_94 = vector.shape_cast %swap3A_93 : vector<1x16xf32> to vector<16xf32>
      %swap3A_95 = vector.shape_cast %broadcast_in_dim3A_90 : vector<16xf32> to vector<1x16xf32>
      tpu.vector_store %arg11[%swap3A_91, %swap3A_92], %swap3A_95 {strides = array<i32>} : memref<32x128xf32, #tpu.memory_space<vmem>>, vector<1x16xf32>,
    }
    %scan3A_20 = arith.constant 32 : i32
    %scan3A_21 = arith.constant 0 : i32
    %scan3A_22 = arith.constant 0 : i32
    %scan3A_23 = arith.constant 20 : i32
    %scan3A_24 = arith.addi %scan3A_22, %scan3A_23 : i32
    %scan3A_25 = arith.constant 1 : i32
    scf.for %scan3A_41 = %scan3A_22 to %scan3A_24 step %scan3A_25  : i32 {
      %mul3A_42 = arith.constant 640 : i32
      %mul3A_43 = arith.muli %arg1, %mul3A_42 : i32
      %mul3A_44 = arith.constant 32 : i32
      %mul3A_45 = arith.muli %scan3A_41, %mul3A_44 : i32
      %add3A_46 = arith.addi %mul3A_43, %mul3A_45 : i32
      "tpu.region"() ({
        %run_scoped3A = tpu.sem_alloc : memref<!tpu.dma_semaphore, #tpu.memory_space<semaphore_mem>>
        %dma_start3A_47 = arith.constant 0 : i32
        %dma_start3A_48 = tpu.memref_slice %arg6[%add3A_46, %dma_start3A_47] : memref<10240x128xf32, #tpu.memory_space<vmem_shared>> -> memref<32x128xf32, #tpu.memory_space<vmem_shared>>
        %dma_start3A_49 = arith.constant 0 : i32
        %dma_start3A_50 = tpu.memref_slice %arg6[%add3A_46, %dma_start3A_49] : memref<10240x128xf32, #tpu.memory_space<vmem_shared>> -> memref<32x128xf32, #tpu.memory_space<vmem_shared>>
        tpu.enqueue_dma source(%arg11 : memref<32x128xf32, #tpu.memory_space<vmem>>) target(%dma_start3A_50 : memref<32x128xf32, #tpu.memory_space<vmem_shared>>) target_semaphore(%run_scoped3A : memref<!tpu.dma_semaphore, #tpu.memory_space<semaphore_mem>>)
        %dma_wait3A = arith.constant 0 : i32
        %dma_wait3A_51 = tpu.memref_slice %arg6[%add3A_46, %dma_wait3A] : memref<10240x128xf32, #tpu.memory_space<vmem_shared>> -> memref<32x128xf32, #tpu.memory_space<vmem_shared>>
        %dma_wait3A_52 = arith.constant 0 : i32
        %dma_wait3A_53 = tpu.memref_slice %arg6[%add3A_46, %dma_wait3A_52] : memref<10240x128xf32, #tpu.memory_space<vmem_shared>> -> memref<32x128xf32, #tpu.memory_space<vmem_shared>>
        tpu.wait_dma2 semaphore(%run_scoped3A : memref<!tpu.dma_semaphore, #tpu.memory_space<semaphore_mem>>) src(%arg11 : memref<32x128xf32, #tpu.memory_space<vmem>>) dst(%dma_wait3A_53 : memref<32x128xf32, #tpu.memory_space<vmem_shared>>)
        tpu.yield
      }) : () -> ()
    }
    %scan3A_26 = arith.constant 20 : i32
    %barrier3A = arith.constant 0 : index
    tpu.barrier barrier_id(%barrier3A)
    %scan3A_27 = arith.constant 0 : i32
    %scan3A_28 = arith.constant 0 : i32
    %scan3A_29 = arith.constant 2 : i32
    %scan3A_30 = arith.addi %scan3A_28, %scan3A_29 : i32
    %scan3A_31 = arith.constant 1 : i32
    scf.for %scan3A_41 = %scan3A_28 to %scan3A_30 step %scan3A_31  : i32 {
      %mul3A_42 = arith.constant 40 : i32
      %mul3A_43 = arith.muli %scan3A_41, %mul3A_42 : i32
      %add3A_44 = arith.addi %mul3A_2, %mul3A_43 : i32
      %gt3A = arith.constant 0 : i32
      %gt3A_45 = arith.cmpi sgt, %scan3A_41, %gt3A : i32
      %convert_element_type3A = arith.extui %gt3A_45 : i1 to i32
      %cond3A = arith.constant 0 : i32
      %cond3A_46 = arith.cmpi ne, %convert_element_type3A, %cond3A : i32
      scf.if %cond3A_46 {
        "tpu.region"() ({
          %run_scoped3A = tpu.sem_alloc : memref<!tpu.dma_semaphore, #tpu.memory_space<semaphore_mem>>
          %dma_start3A_67 = arith.constant 0 : i32
          %dma_start3A_68 = tpu.memref_slice %arg3[%add3A_44, %dma_start3A_67] : memref<2560x128xi32, #tpu.memory_space<hbm>> -> memref<40x128xi32, #tpu.memory_space<hbm>>
          %dma_start3A_69 = arith.constant 0 : i32
          %dma_start3A_70 = tpu.memref_slice %arg3[%add3A_44, %dma_start3A_69] : memref<2560x128xi32, #tpu.memory_space<hbm>> -> memref<40x128xi32, #tpu.memory_space<hbm>>
          tpu.enqueue_dma source(%dma_start3A_70 : memref<40x128xi32, #tpu.memory_space<hbm>>) target(%arg7 : memref<40x128xi32, #tpu.memory_space<vmem>>) target_semaphore(%run_scoped3A : memref<!tpu.dma_semaphore, #tpu.memory_space<semaphore_mem>>)
          %dma_wait3A = arith.constant 0 : i32
          %dma_wait3A_71 = tpu.memref_slice %arg3[%add3A_44, %dma_wait3A] : memref<2560x128xi32, #tpu.memory_space<hbm>> -> memref<40x128xi32, #tpu.memory_space<hbm>>
          %dma_wait3A_72 = arith.constant 0 : i32
          %dma_wait3A_73 = tpu.memref_slice %arg3[%add3A_44, %dma_wait3A_72] : memref<2560x128xi32, #tpu.memory_space<hbm>> -> memref<40x128xi32, #tpu.memory_space<hbm>>
          tpu.wait_dma2 semaphore(%run_scoped3A : memref<!tpu.dma_semaphore, #tpu.memory_space<semaphore_mem>>) src(%dma_wait3A_73 : memref<40x128xi32, #tpu.memory_space<hbm>>) dst(%arg7 : memref<40x128xi32, #tpu.memory_space<vmem>>)
          tpu.yield
        }) : () -> ()
        "tpu.region"() ({
          %run_scoped3A = tpu.sem_alloc : memref<!tpu.dma_semaphore, #tpu.memory_space<semaphore_mem>>
          %dma_start3A_67 = arith.constant 0 : i32
          %dma_start3A_68 = tpu.memref_slice %arg4[%add3A_44, %dma_start3A_67] : memref<2560x128xi32, #tpu.memory_space<hbm>> -> memref<40x128xi32, #tpu.memory_space<hbm>>
          %dma_start3A_69 = arith.constant 0 : i32
          %dma_start3A_70 = tpu.memref_slice %arg4[%add3A_44, %dma_start3A_69] : memref<2560x128xi32, #tpu.memory_space<hbm>> -> memref<40x128xi32, #tpu.memory_space<hbm>>
          tpu.enqueue_dma source(%dma_start3A_70 : memref<40x128xi32, #tpu.memory_space<hbm>>) target(%arg8 : memref<40x128xi32, #tpu.memory_space<vmem>>) target_semaphore(%run_scoped3A : memref<!tpu.dma_semaphore, #tpu.memory_space<semaphore_mem>>)
          %dma_wait3A = arith.constant 0 : i32
          %dma_wait3A_71 = tpu.memref_slice %arg4[%add3A_44, %dma_wait3A] : memref<2560x128xi32, #tpu.memory_space<hbm>> -> memref<40x128xi32, #tpu.memory_space<hbm>>
          %dma_wait3A_72 = arith.constant 0 : i32
          %dma_wait3A_73 = tpu.memref_slice %arg4[%add3A_44, %dma_wait3A_72] : memref<2560x128xi32, #tpu.memory_space<hbm>> -> memref<40x128xi32, #tpu.memory_space<hbm>>
          tpu.wait_dma2 semaphore(%run_scoped3A : memref<!tpu.dma_semaphore, #tpu.memory_space<semaphore_mem>>) src(%dma_wait3A_73 : memref<40x128xi32, #tpu.memory_space<hbm>>) dst(%arg8 : memref<40x128xi32, #tpu.memory_space<vmem>>)
          tpu.yield
        }) : () -> ()
        %dma_start3A_53 = arith.constant 0 : i32
        %dma_start3A_54 = arith.constant 0 : i32
        %dma_start3A_55 = tpu.memref_slice %arg7[%dma_start3A_53, %dma_start3A_54] : memref<40x128xi32, #tpu.memory_space<vmem>> -> memref<1x128xi32, #tpu.memory_space<vmem>>
        %dma_start3A_56 = tpu.memref_squeeze %dma_start3A_55 : memref<1x128xi32, #tpu.memory_space<vmem>> -> memref<128xi32, #tpu.memory_space<vmem>>
        %dma_start3A_57 = arith.constant 0 : i32
        %dma_start3A_58 = arith.constant 0 : i32
        %dma_start3A_59 = tpu.memref_slice %arg2[%dma_start3A_57, %dma_start3A_58] : memref<10240x128xf32, #tpu.memory_space<hbm>> -> memref<10240x128xf32, #tpu.memory_space<hbm>>
        tpu.enqueue_indirect_dma source(%dma_start3A_59 : memref<10240x128xf32, #tpu.memory_space<hbm>>) target(%arg9 : memref<128x128xf32, #tpu.memory_space<vmem>>) offsets(%dma_start3A_56 : memref<128xi32, #tpu.memory_space<vmem>>) semaphore(%arg12 : memref<!tpu.dma_semaphore, #tpu.memory_space<semaphore_mem>>)
        %dma_start3A_60 = arith.constant 1 : i32
        %dma_start3A_61 = arith.constant 0 : i32
        %dma_start3A_62 = tpu.memref_slice %arg7[%dma_start3A_60, %dma_start3A_61] : memref<40x128xi32, #tpu.memory_space<vmem>> -> memref<1x128xi32, #tpu.memory_space<vmem>>
        %dma_start3A_63 = tpu.memref_squeeze %dma_start3A_62 : memref<1x128xi32, #tpu.memory_space<vmem>> -> memref<128xi32, #tpu.memory_space<vmem>>
        %dma_start3A_64 = arith.constant 0 : i32
        %dma_start3A_65 = arith.constant 0 : i32
        %dma_start3A_66 = tpu.memref_slice %arg2[%dma_start3A_64, %dma_start3A_65] : memref<10240x128xf32, #tpu.memory_space<hbm>> -> memref<10240x128xf32, #tpu.memory_space<hbm>>
        tpu.enqueue_indirect_dma source(%dma_start3A_66 : memref<10240x128xf32, #tpu.memory_space<hbm>>) target(%arg10 : memref<128x128xf32, #tpu.memory_space<vmem>>) offsets(%dma_start3A_63 : memref<128xi32, #tpu.memory_space<vmem>>) semaphore(%arg13 : memref<!tpu.dma_semaphore, #tpu.memory_space<semaphore_mem>>)
      } else {
      }
      %scan3A_47 = arith.constant 0 : i32
      %scan3A_48 = arith.constant 0 : i32
      %scan3A_49 = arith.constant 20 : i32
      %scan3A_50 = arith.addi %scan3A_48, %scan3A_49 : i32
      %scan3A_51 = arith.constant 1 : i32
      scf.for %scan3A_53 = %scan3A_48 to %scan3A_50 step %scan3A_51  : i32 {
        %mul3A_54 = arith.constant 2 : i32
        %mul3A_55 = arith.muli %scan3A_53, %mul3A_54 : i32
        %add3A_56 = arith.constant 0 : i32
        %add3A_57 = arith.addi %mul3A_55, %add3A_56 : i32
        %dma_wait3A = arith.constant 0 : i32
        %dma_wait3A_58 = tpu.memref_slice %arg7[%add3A_57, %dma_wait3A] : memref<40x128xi32, #tpu.memory_space<vmem>> -> memref<1x128xi32, #tpu.memory_space<vmem>>
        %dma_wait3A_59 = tpu.memref_squeeze %dma_wait3A_58 : memref<1x128xi32, #tpu.memory_space<vmem>> -> memref<128xi32, #tpu.memory_space<vmem>>
        %dma_wait3A_60 = arith.constant 0 : i32
        %dma_wait3A_61 = arith.constant 0 : i32
        %dma_wait3A_62 = tpu.memref_slice %arg2[%dma_wait3A_60, %dma_wait3A_61] : memref<10240x128xf32, #tpu.memory_space<hbm>> -> memref<10240x128xf32, #tpu.memory_space<hbm>>
        tpu.wait_indirect_dma semaphore(%arg12 : memref<!tpu.dma_semaphore, #tpu.memory_space<semaphore_mem>>) src(%dma_wait3A_62 : memref<10240x128xf32, #tpu.memory_space<hbm>>) dst(%arg9 : memref<128x128xf32, #tpu.memory_space<vmem>>)
        "tpu.region"() ({
          %run_scoped3A = tpu.sem_alloc : memref<!tpu.dma_semaphore, #tpu.memory_space<semaphore_mem>>
          %dma_start3A_86 = arith.constant 0 : i32
          %dma_start3A_87 = tpu.memref_slice %arg8[%add3A_57, %dma_start3A_86] : memref<40x128xi32, #tpu.memory_space<vmem>> -> memref<1x128xi32, #tpu.memory_space<vmem>>
          %dma_start3A_88 = tpu.memref_squeeze %dma_start3A_87 : memref<1x128xi32, #tpu.memory_space<vmem>> -> memref<128xi32, #tpu.memory_space<vmem>>
          %dma_start3A_89 = arith.constant 0 : i32
          %dma_start3A_90 = arith.constant 0 : i32
          %dma_start3A_91 = tpu.memref_slice %arg6[%dma_start3A_89, %dma_start3A_90] : memref<10240x128xf32, #tpu.memory_space<vmem_shared>> -> memref<10240x128xf32, #tpu.memory_space<vmem_shared>>
          tpu.enqueue_indirect_dma source(%arg9 : memref<128x128xf32, #tpu.memory_space<vmem>>) target(%dma_start3A_91 : memref<10240x128xf32, #tpu.memory_space<vmem_shared>>) offsets(%dma_start3A_88 : memref<128xi32, #tpu.memory_space<vmem>>) semaphore(%run_scoped3A : memref<!tpu.dma_semaphore, #tpu.memory_space<semaphore_mem>>) {add = true}
          %dma_wait3A_92 = arith.constant 0 : i32
          %dma_wait3A_93 = tpu.memref_slice %arg8[%add3A_57, %dma_wait3A_92] : memref<40x128xi32, #tpu.memory_space<vmem>> -> memref<1x128xi32, #tpu.memory_space<vmem>>
          %dma_wait3A_94 = tpu.memref_squeeze %dma_wait3A_93 : memref<1x128xi32, #tpu.memory_space<vmem>> -> memref<128xi32, #tpu.memory_space<vmem>>
          %dma_wait3A_95 = arith.constant 0 : i32
          %dma_wait3A_96 = arith.constant 0 : i32
          %dma_wait3A_97 = tpu.memref_slice %arg6[%dma_wait3A_95, %dma_wait3A_96] : memref<10240x128xf32, #tpu.memory_space<vmem_shared>> -> memref<10240x128xf32, #tpu.memory_space<vmem_shared>>
          tpu.wait_indirect_dma semaphore(%run_scoped3A : memref<!tpu.dma_semaphore, #tpu.memory_space<semaphore_mem>>) src(%arg9 : memref<128x128xf32, #tpu.memory_space<vmem>>) dst(%dma_wait3A_97 : memref<10240x128xf32, #tpu.memory_space<vmem_shared>>)
          tpu.yield
        }) : () -> ()
        %add3A_63 = arith.constant 2 : i32
        %add3A_64 = arith.addi %add3A_57, %add3A_63 : i32
        %lt3A = arith.constant 40 : i32
        %lt3A_65 = arith.cmpi slt, %add3A_64, %lt3A : i32
        %convert_element_type3A_66 = arith.extui %lt3A_65 : i1 to i32
        %cond3A_67 = arith.constant 0 : i32
        %cond3A_68 = arith.cmpi ne, %convert_element_type3A_66, %cond3A_67 : i32
        scf.if %cond3A_68 {
          %add3A_86 = arith.constant 2 : i32
          %add3A_87 = arith.addi %add3A_57, %add3A_86 : i32
          %dma_start3A_88 = arith.constant 0 : i32
          %dma_start3A_89 = tpu.memref_slice %arg7[%add3A_87, %dma_start3A_88] : memref<40x128xi32, #tpu.memory_space<vmem>> -> memref<1x128xi32, #tpu.memory_space<vmem>>
          %dma_start3A_90 = tpu.memref_squeeze %dma_start3A_89 : memref<1x128xi32, #tpu.memory_space<vmem>> -> memref<128xi32, #tpu.memory_space<vmem>>
          %dma_start3A_91 = arith.constant 0 : i32
          %dma_start3A_92 = arith.constant 0 : i32
          %dma_start3A_93 = tpu.memref_slice %arg2[%dma_start3A_91, %dma_start3A_92] : memref<10240x128xf32, #tpu.memory_space<hbm>> -> memref<10240x128xf32, #tpu.memory_space<hbm>>
          tpu.enqueue_indirect_dma source(%dma_start3A_93 : memref<10240x128xf32, #tpu.memory_space<hbm>>) target(%arg9 : memref<128x128xf32, #tpu.memory_space<vmem>>) offsets(%dma_start3A_90 : memref<128xi32, #tpu.memory_space<vmem>>) semaphore(%arg12 : memref<!tpu.dma_semaphore, #tpu.memory_space<semaphore_mem>>)
        } else {
        }
        %mul3A_69 = arith.constant 2 : i32
        %mul3A_70 = arith.muli %scan3A_53, %mul3A_69 : i32
        %add3A_71 = arith.constant 1 : i32
        %add3A_72 = arith.addi %mul3A_70, %add3A_71 : i32
        %dma_wait3A_73 = arith.constant 0 : i32
        %dma_wait3A_74 = tpu.memref_slice %arg7[%add3A_72, %dma_wait3A_73] : memref<40x128xi32, #tpu.memory_space<vmem>> -> memref<1x128xi32, #tpu.memory_space<vmem>>
        %dma_wait3A_75 = tpu.memref_squeeze %dma_wait3A_74 : memref<1x128xi32, #tpu.memory_space<vmem>> -> memref<128xi32, #tpu.memory_space<vmem>>
        %dma_wait3A_76 = arith.constant 0 : i32
        %dma_wait3A_77 = arith.constant 0 : i32
        %dma_wait3A_78 = tpu.memref_slice %arg2[%dma_wait3A_76, %dma_wait3A_77] : memref<10240x128xf32, #tpu.memory_space<hbm>> -> memref<10240x128xf32, #tpu.memory_space<hbm>>
        tpu.wait_indirect_dma semaphore(%arg13 : memref<!tpu.dma_semaphore, #tpu.memory_space<semaphore_mem>>) src(%dma_wait3A_78 : memref<10240x128xf32, #tpu.memory_space<hbm>>) dst(%arg10 : memref<128x128xf32, #tpu.memory_space<vmem>>)
        "tpu.region"() ({
          %run_scoped3A = tpu.sem_alloc : memref<!tpu.dma_semaphore, #tpu.memory_space<semaphore_mem>>
          %dma_start3A_86 = arith.constant 0 : i32
          %dma_start3A_87 = tpu.memref_slice %arg8[%add3A_72, %dma_start3A_86] : memref<40x128xi32, #tpu.memory_space<vmem>> -> memref<1x128xi32, #tpu.memory_space<vmem>>
          %dma_start3A_88 = tpu.memref_squeeze %dma_start3A_87 : memref<1x128xi32, #tpu.memory_space<vmem>> -> memref<128xi32, #tpu.memory_space<vmem>>
          %dma_start3A_89 = arith.constant 0 : i32
          %dma_start3A_90 = arith.constant 0 : i32
          %dma_start3A_91 = tpu.memref_slice %arg6[%dma_start3A_89, %dma_start3A_90] : memref<10240x128xf32, #tpu.memory_space<vmem_shared>> -> memref<10240x128xf32, #tpu.memory_space<vmem_shared>>
          tpu.enqueue_indirect_dma source(%arg10 : memref<128x128xf32, #tpu.memory_space<vmem>>) target(%dma_start3A_91 : memref<10240x128xf32, #tpu.memory_space<vmem_shared>>) offsets(%dma_start3A_88 : memref<128xi32, #tpu.memory_space<vmem>>) semaphore(%run_scoped3A : memref<!tpu.dma_semaphore, #tpu.memory_space<semaphore_mem>>) {add = true}
          %dma_wait3A_92 = arith.constant 0 : i32
          %dma_wait3A_93 = tpu.memref_slice %arg8[%add3A_72, %dma_wait3A_92] : memref<40x128xi32, #tpu.memory_space<vmem>> -> memref<1x128xi32, #tpu.memory_space<vmem>>
          %dma_wait3A_94 = tpu.memref_squeeze %dma_wait3A_93 : memref<1x128xi32, #tpu.memory_space<vmem>> -> memref<128xi32, #tpu.memory_space<vmem>>
          %dma_wait3A_95 = arith.constant 0 : i32
          %dma_wait3A_96 = arith.constant 0 : i32
          %dma_wait3A_97 = tpu.memref_slice %arg6[%dma_wait3A_95, %dma_wait3A_96] : memref<10240x128xf32, #tpu.memory_space<vmem_shared>> -> memref<10240x128xf32, #tpu.memory_space<vmem_shared>>
          tpu.wait_indirect_dma semaphore(%run_scoped3A : memref<!tpu.dma_semaphore, #tpu.memory_space<semaphore_mem>>) src(%arg10 : memref<128x128xf32, #tpu.memory_space<vmem>>) dst(%dma_wait3A_97 : memref<10240x128xf32, #tpu.memory_space<vmem_shared>>)
          tpu.yield
        }) : () -> ()
        %add3A_79 = arith.constant 2 : i32
        %add3A_80 = arith.addi %add3A_72, %add3A_79 : i32
        %lt3A_81 = arith.constant 40 : i32
        %lt3A_82 = arith.cmpi slt, %add3A_80, %lt3A_81 : i32
        %convert_element_type3A_83 = arith.extui %lt3A_82 : i1 to i32
        %cond3A_84 = arith.constant 0 : i32
        %cond3A_85 = arith.cmpi ne, %convert_element_type3A_83, %cond3A_84 : i32
        scf.if %cond3A_85 {
          %add3A_86 = arith.constant 2 : i32
          %add3A_87 = arith.addi %add3A_72, %add3A_86 : i32
          %dma_start3A_88 = arith.constant 0 : i32
          %dma_start3A_89 = tpu.memref_slice %arg7[%add3A_87, %dma_start3A_88] : memref<40x128xi32, #tpu.memory_space<vmem>> -> memref<1x128xi32, #tpu.memory_space<vmem>>
          %dma_start3A_90 = tpu.memref_squeeze %dma_start3A_89 : memref<1x128xi32, #tpu.memory_space<vmem>> -> memref<128xi32, #tpu.memory_space<vmem>>
          %dma_start3A_91 = arith.constant 0 : i32
          %dma_start3A_92 = arith.constant 0 : i32
          %dma_start3A_93 = tpu.memref_slice %arg2[%dma_start3A_91, %dma_start3A_92] : memref<10240x128xf32, #tpu.memory_space<hbm>> -> memref<10240x128xf32, #tpu.memory_space<hbm>>
          tpu.enqueue_indirect_dma source(%dma_start3A_93 : memref<10240x128xf32, #tpu.memory_space<hbm>>) target(%arg10 : memref<128x128xf32, #tpu.memory_space<vmem>>) offsets(%dma_start3A_90 : memref<128xi32, #tpu.memory_space<vmem>>) semaphore(%arg13 : memref<!tpu.dma_semaphore, #tpu.memory_space<semaphore_mem>>)
        } else {
        }
      }
      %scan3A_52 = arith.constant 20 : i32
    }
    %scan3A_32 = arith.constant 2 : i32
    %barrier3A_33 = arith.constant 0 : index
    tpu.barrier barrier_id(%barrier3A_33)
    %mul3A_34 = arith.constant 640 : i32
    %mul3A_35 = arith.muli %arg1, %mul3A_34 : i32
    %mul3A_36 = arith.constant 10240 : i32
    %mul3A_37 = arith.muli %arg0, %mul3A_36 : i32
    %mul3A_38 = arith.constant 640 : i32
    %mul3A_39 = arith.muli %arg1, %mul3A_38 : i32
    %add3A_40 = arith.addi %mul3A_37, %mul3A_39 : i32
    "tpu.region"() ({
      %run_scoped3A = tpu.sem_alloc : memref<!tpu.dma_semaphore, #tpu.memory_space<semaphore_mem>>
      %dma_start3A_41 = arith.constant 0 : i32
      %dma_start3A_42 = tpu.memref_slice %arg5[%add3A_40, %dma_start3A_41] : memref<20480x128xf32, #tpu.memory_space<hbm>> -> memref<640x128xf32, #tpu.memory_space<hbm>>
      %dma_start3A_43 = arith.constant 0 : i32
      %dma_start3A_44 = tpu.memref_slice %arg6[%mul3A_35, %dma_start3A_43] : memref<10240x128xf32, #tpu.memory_space<vmem_shared>> -> memref<640x128xf32, #tpu.memory_space<vmem_shared>>
      tpu.enqueue_dma source(%dma_start3A_44 : memref<640x128xf32, #tpu.memory_space<vmem_shared>>) target(%dma_start3A_42 : memref<640x128xf32, #tpu.memory_space<hbm>>) target_semaphore(%run_scoped3A : memref<!tpu.dma_semaphore, #tpu.memory_space<semaphore_mem>>)
      %dma_wait3A = arith.constant 0 : i32
      %dma_wait3A_45 = tpu.memref_slice %arg5[%add3A_40, %dma_wait3A] : memref<20480x128xf32, #tpu.memory_space<hbm>> -> memref<640x128xf32, #tpu.memory_space<hbm>>
      %dma_wait3A_46 = arith.constant 0 : i32
      %dma_wait3A_47 = tpu.memref_slice %arg6[%mul3A_35, %dma_wait3A_46] : memref<10240x128xf32, #tpu.memory_space<vmem_shared>> -> memref<640x128xf32, #tpu.memory_space<vmem_shared>>
      tpu.wait_dma2 semaphore(%run_scoped3A : memref<!tpu.dma_semaphore, #tpu.memory_space<semaphore_mem>>) src(%dma_wait3A_47 : memref<640x128xf32, #tpu.memory_space<vmem_shared>>) dst(%dma_wait3A_45 : memref<640x128xf32, #tpu.memory_space<hbm>>)
      tpu.yield
    }) : () -> ()
    return
  }
}

#map = affine_map<(d0, d1) -> (0, 0)>
module attributes {stable_mosaic.version = 14 : i64} {
  func.func @_prop_body(%arg0: i32, %arg1: i32, %arg2: memref<10240x128xf32, #tpu.memory_space<hbm>>, %arg3: memref<2560x128xi32, #tpu.memory_space<hbm>>, %arg4: memref<2560x128xi32, #tpu.memory_space<hbm>>, %arg5: memref<20480x128xf32, #tpu.memory_space<hbm>>, %arg6: memref<10240x128xf32, #tpu.memory_space<vmem_shared>>, %arg7: memref<40x128xi32, #tpu.memory_space<vmem>>, %arg8: memref<40x128xi32, #tpu.memory_space<vmem>>, %arg9: memref<128x128xf32, #tpu.memory_space<vmem>>, %arg10: memref<128x128xf32, #tpu.memory_space<vmem>>, %arg11: memref<32x128xf32, #tpu.memory_space<vmem>>, %arg12: memref<!tpu.dma_semaphore, #tpu.memory_space<semaphore_mem>>, %arg13: memref<!tpu.dma_semaphore, #tpu.memory_space<semaphore_mem>>) attributes {dimension_semantics = [#tpu.dimension_semantics<core_parallel>, #tpu.dimension_semantics<subcore_parallel>], iteration_bounds = array<i64: 2, 16>, scalar_prefetch = 0 : i64, scratch_operands = 8 : i64, tpu.core_type = #tpu.core_type<sc_vector_subcore>, window_params = [{transform_indices = #map}, {transform_indices = #map}, {transform_indices = #map}, {transform_indices = #map}]} {
    %mul3A = arith.constant 16 : i32
    %mul3A_0 = arith.muli %arg0, %mul3A : i32
    %add3A = arith.addi %mul3A_0, %arg1 : i32
    %mul3A_1 = arith.constant 80 : i32
    %mul3A_2 = arith.muli %add3A, %mul3A_1 : i32
    "tpu.region"() ({
      %run_scoped3A = tpu.sem_alloc : memref<!tpu.dma_semaphore, #tpu.memory_space<semaphore_mem>>
      %dma_start3A_41 = arith.constant 0 : i32
      %dma_start3A_42 = tpu.memref_slice %arg3[%mul3A_2, %dma_start3A_41] : memref<2560x128xi32, #tpu.memory_space<hbm>> -> memref<40x128xi32, #tpu.memory_space<hbm>>
      %dma_start3A_43 = arith.constant 0 : i32
      %dma_start3A_44 = tpu.memref_slice %arg3[%mul3A_2, %dma_start3A_43] : memref<2560x128xi32, #tpu.memory_space<hbm>> -> memref<40x128xi32, #tpu.memory_space<hbm>>
      tpu.enqueue_dma source(%dma_start3A_44 : memref<40x128xi32, #tpu.memory_space<hbm>>) target(%arg7 : memref<40x128xi32, #tpu.memory_space<vmem>>) target_semaphore(%run_scoped3A : memref<!tpu.dma_semaphore, #tpu.memory_space<semaphore_mem>>)
      %dma_wait3A = arith.constant 0 : i32
      %dma_wait3A_45 = tpu.memref_slice %arg3[%mul3A_2, %dma_wait3A] : memref<2560x128xi32, #tpu.memory_space<hbm>> -> memref<40x128xi32, #tpu.memory_space<hbm>>
      %dma_wait3A_46 = arith.constant 0 : i32
      %dma_wait3A_47 = tpu.memref_slice %arg3[%mul3A_2, %dma_wait3A_46] : memref<2560x128xi32, #tpu.memory_space<hbm>> -> memref<40x128xi32, #tpu.memory_space<hbm>>
      tpu.wait_dma2 semaphore(%run_scoped3A : memref<!tpu.dma_semaphore, #tpu.memory_space<semaphore_mem>>) src(%dma_wait3A_47 : memref<40x128xi32, #tpu.memory_space<hbm>>) dst(%arg7 : memref<40x128xi32, #tpu.memory_space<vmem>>)
      tpu.yield
    }) : () -> ()
    "tpu.region"() ({
      %run_scoped3A = tpu.sem_alloc : memref<!tpu.dma_semaphore, #tpu.memory_space<semaphore_mem>>
      %dma_start3A_41 = arith.constant 0 : i32
      %dma_start3A_42 = tpu.memref_slice %arg4[%mul3A_2, %dma_start3A_41] : memref<2560x128xi32, #tpu.memory_space<hbm>> -> memref<40x128xi32, #tpu.memory_space<hbm>>
      %dma_start3A_43 = arith.constant 0 : i32
      %dma_start3A_44 = tpu.memref_slice %arg4[%mul3A_2, %dma_start3A_43] : memref<2560x128xi32, #tpu.memory_space<hbm>> -> memref<40x128xi32, #tpu.memory_space<hbm>>
      tpu.enqueue_dma source(%dma_start3A_44 : memref<40x128xi32, #tpu.memory_space<hbm>>) target(%arg8 : memref<40x128xi32, #tpu.memory_space<vmem>>) target_semaphore(%run_scoped3A : memref<!tpu.dma_semaphore, #tpu.memory_space<semaphore_mem>>)
      %dma_wait3A = arith.constant 0 : i32
      %dma_wait3A_45 = tpu.memref_slice %arg4[%mul3A_2, %dma_wait3A] : memref<2560x128xi32, #tpu.memory_space<hbm>> -> memref<40x128xi32, #tpu.memory_space<hbm>>
      %dma_wait3A_46 = arith.constant 0 : i32
      %dma_wait3A_47 = tpu.memref_slice %arg4[%mul3A_2, %dma_wait3A_46] : memref<2560x128xi32, #tpu.memory_space<hbm>> -> memref<40x128xi32, #tpu.memory_space<hbm>>
      tpu.wait_dma2 semaphore(%run_scoped3A : memref<!tpu.dma_semaphore, #tpu.memory_space<semaphore_mem>>) src(%dma_wait3A_47 : memref<40x128xi32, #tpu.memory_space<hbm>>) dst(%arg8 : memref<40x128xi32, #tpu.memory_space<vmem>>)
      tpu.yield
    }) : () -> ()
    %dma_start3A = arith.constant 0 : i32
    %dma_start3A_3 = arith.constant 0 : i32
    %dma_start3A_4 = tpu.memref_slice %arg7[%dma_start3A, %dma_start3A_3] : memref<40x128xi32, #tpu.memory_space<vmem>> -> memref<1x128xi32, #tpu.memory_space<vmem>>
    %dma_start3A_5 = tpu.memref_squeeze %dma_start3A_4 : memref<1x128xi32, #tpu.memory_space<vmem>> -> memref<128xi32, #tpu.memory_space<vmem>>
    %dma_start3A_6 = arith.constant 0 : i32
    %dma_start3A_7 = arith.constant 0 : i32
    %dma_start3A_8 = tpu.memref_slice %arg2[%dma_start3A_6, %dma_start3A_7] : memref<10240x128xf32, #tpu.memory_space<hbm>> -> memref<10240x128xf32, #tpu.memory_space<hbm>>
    tpu.enqueue_indirect_dma source(%dma_start3A_8 : memref<10240x128xf32, #tpu.memory_space<hbm>>) target(%arg9 : memref<128x128xf32, #tpu.memory_space<vmem>>) offsets(%dma_start3A_5 : memref<128xi32, #tpu.memory_space<vmem>>) semaphore(%arg12 : memref<!tpu.dma_semaphore, #tpu.memory_space<semaphore_mem>>)
    %dma_start3A_9 = arith.constant 1 : i32
    %dma_start3A_10 = arith.constant 0 : i32
    %dma_start3A_11 = tpu.memref_slice %arg7[%dma_start3A_9, %dma_start3A_10] : memref<40x128xi32, #tpu.memory_space<vmem>> -> memref<1x128xi32, #tpu.memory_space<vmem>>
    %dma_start3A_12 = tpu.memref_squeeze %dma_start3A_11 : memref<1x128xi32, #tpu.memory_space<vmem>> -> memref<128xi32, #tpu.memory_space<vmem>>
    %dma_start3A_13 = arith.constant 0 : i32
    %dma_start3A_14 = arith.constant 0 : i32
    %dma_start3A_15 = tpu.memref_slice %arg2[%dma_start3A_13, %dma_start3A_14] : memref<10240x128xf32, #tpu.memory_space<hbm>> -> memref<10240x128xf32, #tpu.memory_space<hbm>>
    tpu.enqueue_indirect_dma source(%dma_start3A_15 : memref<10240x128xf32, #tpu.memory_space<hbm>>) target(%arg10 : memref<128x128xf32, #tpu.memory_space<vmem>>) offsets(%dma_start3A_12 : memref<128xi32, #tpu.memory_space<vmem>>) semaphore(%arg13 : memref<!tpu.dma_semaphore, #tpu.memory_space<semaphore_mem>>)
    %scan3A = arith.constant 0 : i32
    %scan3A_16 = arith.constant 0 : i32
    %scan3A_17 = arith.constant 32 : i32
    %scan3A_18 = arith.addi %scan3A_16, %scan3A_17 : i32
    %scan3A_19 = arith.constant 1 : i32
    scf.for %scan3A_41 = %scan3A_16 to %scan3A_18 step %scan3A_19  : i32 {
      %broadcast_in_dim3A = arith.constant 0.000000e+00 : f32
      %broadcast_in_dim3A_42 = vector.broadcast %broadcast_in_dim3A : f32 to vector<16xf32>
      %swap3A = arith.index_cast %scan3A_41 : i32 to index
      %swap3A_43 = arith.constant 0 : index
      %swap3A_44 = tpu.vector_load %arg11[%swap3A, %swap3A_43] {strides = array<i32>} : memref<32x128xf32, #tpu.memory_space<vmem>>, vector<1x16xf32>,
      %swap3A_45 = vector.shape_cast %swap3A_44 : vector<1x16xf32> to vector<16xf32>
      %swap3A_46 = vector.shape_cast %broadcast_in_dim3A_42 : vector<16xf32> to vector<1x16xf32>
      tpu.vector_store %arg11[%swap3A, %swap3A_43], %swap3A_46 {strides = array<i32>} : memref<32x128xf32, #tpu.memory_space<vmem>>, vector<1x16xf32>,
      %broadcast_in_dim3A_47 = arith.constant 0.000000e+00 : f32
      %broadcast_in_dim3A_48 = vector.broadcast %broadcast_in_dim3A_47 : f32 to vector<16xf32>
      %swap3A_49 = arith.index_cast %scan3A_41 : i32 to index
      %swap3A_50 = arith.constant 16 : index
      %swap3A_51 = tpu.vector_load %arg11[%swap3A_49, %swap3A_50] {strides = array<i32>} : memref<32x128xf32, #tpu.memory_space<vmem>>, vector<1x16xf32>,
      %swap3A_52 = vector.shape_cast %swap3A_51 : vector<1x16xf32> to vector<16xf32>
      %swap3A_53 = vector.shape_cast %broadcast_in_dim3A_48 : vector<16xf32> to vector<1x16xf32>
      tpu.vector_store %arg11[%swap3A_49, %swap3A_50], %swap3A_53 {strides = array<i32>} : memref<32x128xf32, #tpu.memory_space<vmem>>, vector<1x16xf32>,
      %broadcast_in_dim3A_54 = arith.constant 0.000000e+00 : f32
      %broadcast_in_dim3A_55 = vector.broadcast %broadcast_in_dim3A_54 : f32 to vector<16xf32>
      %swap3A_56 = arith.index_cast %scan3A_41 : i32 to index
      %swap3A_57 = arith.constant 32 : index
      %swap3A_58 = tpu.vector_load %arg11[%swap3A_56, %swap3A_57] {strides = array<i32>} : memref<32x128xf32, #tpu.memory_space<vmem>>, vector<1x16xf32>,
      %swap3A_59 = vector.shape_cast %swap3A_58 : vector<1x16xf32> to vector<16xf32>
      %swap3A_60 = vector.shape_cast %broadcast_in_dim3A_55 : vector<16xf32> to vector<1x16xf32>
      tpu.vector_store %arg11[%swap3A_56, %swap3A_57], %swap3A_60 {strides = array<i32>} : memref<32x128xf32, #tpu.memory_space<vmem>>, vector<1x16xf32>,
      %broadcast_in_dim3A_61 = arith.constant 0.000000e+00 : f32
      %broadcast_in_dim3A_62 = vector.broadcast %broadcast_in_dim3A_61 : f32 to vector<16xf32>
      %swap3A_63 = arith.index_cast %scan3A_41 : i32 to index
      %swap3A_64 = arith.constant 48 : index
      %swap3A_65 = tpu.vector_load %arg11[%swap3A_63, %swap3A_64] {strides = array<i32>} : memref<32x128xf32, #tpu.memory_space<vmem>>, vector<1x16xf32>,
      %swap3A_66 = vector.shape_cast %swap3A_65 : vector<1x16xf32> to vector<16xf32>
      %swap3A_67 = vector.shape_cast %broadcast_in_dim3A_62 : vector<16xf32> to vector<1x16xf32>
      tpu.vector_store %arg11[%swap3A_63, %swap3A_64], %swap3A_67 {strides = array<i32>} : memref<32x128xf32, #tpu.memory_space<vmem>>, vector<1x16xf32>,
      %broadcast_in_dim3A_68 = arith.constant 0.000000e+00 : f32
      %broadcast_in_dim3A_69 = vector.broadcast %broadcast_in_dim3A_68 : f32 to vector<16xf32>
      %swap3A_70 = arith.index_cast %scan3A_41 : i32 to index
      %swap3A_71 = arith.constant 64 : index
      %swap3A_72 = tpu.vector_load %arg11[%swap3A_70, %swap3A_71] {strides = array<i32>} : memref<32x128xf32, #tpu.memory_space<vmem>>, vector<1x16xf32>,
      %swap3A_73 = vector.shape_cast %swap3A_72 : vector<1x16xf32> to vector<16xf32>
      %swap3A_74 = vector.shape_cast %broadcast_in_dim3A_69 : vector<16xf32> to vector<1x16xf32>
      tpu.vector_store %arg11[%swap3A_70, %swap3A_71], %swap3A_74 {strides = array<i32>} : memref<32x128xf32, #tpu.memory_space<vmem>>, vector<1x16xf32>,
      %broadcast_in_dim3A_75 = arith.constant 0.000000e+00 : f32
      %broadcast_in_dim3A_76 = vector.broadcast %broadcast_in_dim3A_75 : f32 to vector<16xf32>
      %swap3A_77 = arith.index_cast %scan3A_41 : i32 to index
      %swap3A_78 = arith.constant 80 : index
      %swap3A_79 = tpu.vector_load %arg11[%swap3A_77, %swap3A_78] {strides = array<i32>} : memref<32x128xf32, #tpu.memory_space<vmem>>, vector<1x16xf32>,
      %swap3A_80 = vector.shape_cast %swap3A_79 : vector<1x16xf32> to vector<16xf32>
      %swap3A_81 = vector.shape_cast %broadcast_in_dim3A_76 : vector<16xf32> to vector<1x16xf32>
      tpu.vector_store %arg11[%swap3A_77, %swap3A_78], %swap3A_81 {strides = array<i32>} : memref<32x128xf32, #tpu.memory_space<vmem>>, vector<1x16xf32>,
      %broadcast_in_dim3A_82 = arith.constant 0.000000e+00 : f32
      %broadcast_in_dim3A_83 = vector.broadcast %broadcast_in_dim3A_82 : f32 to vector<16xf32>
      %swap3A_84 = arith.index_cast %scan3A_41 : i32 to index
      %swap3A_85 = arith.constant 96 : index
      %swap3A_86 = tpu.vector_load %arg11[%swap3A_84, %swap3A_85] {strides = array<i32>} : memref<32x128xf32, #tpu.memory_space<vmem>>, vector<1x16xf32>,
      %swap3A_87 = vector.shape_cast %swap3A_86 : vector<1x16xf32> to vector<16xf32>
      %swap3A_88 = vector.shape_cast %broadcast_in_dim3A_83 : vector<16xf32> to vector<1x16xf32>
      tpu.vector_store %arg11[%swap3A_84, %swap3A_85], %swap3A_88 {strides = array<i32>} : memref<32x128xf32, #tpu.memory_space<vmem>>, vector<1x16xf32>,
      %broadcast_in_dim3A_89 = arith.constant 0.000000e+00 : f32
      %broadcast_in_dim3A_90 = vector.broadcast %broadcast_in_dim3A_89 : f32 to vector<16xf32>
      %swap3A_91 = arith.index_cast %scan3A_41 : i32 to index
      %swap3A_92 = arith.constant 112 : index
      %swap3A_93 = tpu.vector_load %arg11[%swap3A_91, %swap3A_92] {strides = array<i32>} : memref<32x128xf32, #tpu.memory_space<vmem>>, vector<1x16xf32>,
      %swap3A_94 = vector.shape_cast %swap3A_93 : vector<1x16xf32> to vector<16xf32>
      %swap3A_95 = vector.shape_cast %broadcast_in_dim3A_90 : vector<16xf32> to vector<1x16xf32>
      tpu.vector_store %arg11[%swap3A_91, %swap3A_92], %swap3A_95 {strides = array<i32>} : memref<32x128xf32, #tpu.memory_space<vmem>>, vector<1x16xf32>,
    }
    %scan3A_20 = arith.constant 32 : i32
    %scan3A_21 = arith.constant 0 : i32
    %scan3A_22 = arith.constant 0 : i32
    %scan3A_23 = arith.constant 20 : i32
    %scan3A_24 = arith.addi %scan3A_22, %scan3A_23 : i32
    %scan3A_25 = arith.constant 1 : i32
    scf.for %scan3A_41 = %scan3A_22 to %scan3A_24 step %scan3A_25  : i32 {
      %mul3A_42 = arith.constant 640 : i32
      %mul3A_43 = arith.muli %arg1, %mul3A_42 : i32
      %mul3A_44 = arith.constant 32 : i32
      %mul3A_45 = arith.muli %scan3A_41, %mul3A_44 : i32
      %add3A_46 = arith.addi %mul3A_43, %mul3A_45 : i32
      "tpu.region"() ({
        %run_scoped3A = tpu.sem_alloc : memref<!tpu.dma_semaphore, #tpu.memory_space<semaphore_mem>>
        %dma_start3A_47 = arith.constant 0 : i32
        %dma_start3A_48 = tpu.memref_slice %arg6[%add3A_46, %dma_start3A_47] : memref<10240x128xf32, #tpu.memory_space<vmem_shared>> -> memref<32x128xf32, #tpu.memory_space<vmem_shared>>
        %dma_start3A_49 = arith.constant 0 : i32
        %dma_start3A_50 = tpu.memref_slice %arg6[%add3A_46, %dma_start3A_49] : memref<10240x128xf32, #tpu.memory_space<vmem_shared>> -> memref<32x128xf32, #tpu.memory_space<vmem_shared>>
        tpu.enqueue_dma source(%arg11 : memref<32x128xf32, #tpu.memory_space<vmem>>) target(%dma_start3A_50 : memref<32x128xf32, #tpu.memory_space<vmem_shared>>) target_semaphore(%run_scoped3A : memref<!tpu.dma_semaphore, #tpu.memory_space<semaphore_mem>>)
        %dma_wait3A = arith.constant 0 : i32
        %dma_wait3A_51 = tpu.memref_slice %arg6[%add3A_46, %dma_wait3A] : memref<10240x128xf32, #tpu.memory_space<vmem_shared>> -> memref<32x128xf32, #tpu.memory_space<vmem_shared>>
        %dma_wait3A_52 = arith.constant 0 : i32
        %dma_wait3A_53 = tpu.memref_slice %arg6[%add3A_46, %dma_wait3A_52] : memref<10240x128xf32, #tpu.memory_space<vmem_shared>> -> memref<32x128xf32, #tpu.memory_space<vmem_shared>>
        tpu.wait_dma2 semaphore(%run_scoped3A : memref<!tpu.dma_semaphore, #tpu.memory_space<semaphore_mem>>) src(%arg11 : memref<32x128xf32, #tpu.memory_space<vmem>>) dst(%dma_wait3A_53 : memref<32x128xf32, #tpu.memory_space<vmem_shared>>)
        tpu.yield
      }) : () -> ()
    }
    %scan3A_26 = arith.constant 20 : i32
    %barrier3A = arith.constant 0 : index
    tpu.barrier barrier_id(%barrier3A)
    %scan3A_27 = arith.constant 0 : i32
    %scan3A_28 = arith.constant 0 : i32
    %scan3A_29 = arith.constant 2 : i32
    %scan3A_30 = arith.addi %scan3A_28, %scan3A_29 : i32
    %scan3A_31 = arith.constant 1 : i32
    scf.for %scan3A_41 = %scan3A_28 to %scan3A_30 step %scan3A_31  : i32 {
      %mul3A_42 = arith.constant 40 : i32
      %mul3A_43 = arith.muli %scan3A_41, %mul3A_42 : i32
      %add3A_44 = arith.addi %mul3A_2, %mul3A_43 : i32
      %gt3A = arith.constant 0 : i32
      %gt3A_45 = arith.cmpi sgt, %scan3A_41, %gt3A : i32
      %convert_element_type3A = arith.extui %gt3A_45 : i1 to i32
      %cond3A = arith.constant 0 : i32
      %cond3A_46 = arith.cmpi ne, %convert_element_type3A, %cond3A : i32
      scf.if %cond3A_46 {
        "tpu.region"() ({
          %run_scoped3A = tpu.sem_alloc : memref<!tpu.dma_semaphore, #tpu.memory_space<semaphore_mem>>
          %dma_start3A_67 = arith.constant 0 : i32
          %dma_start3A_68 = tpu.memref_slice %arg3[%add3A_44, %dma_start3A_67] : memref<2560x128xi32, #tpu.memory_space<hbm>> -> memref<40x128xi32, #tpu.memory_space<hbm>>
          %dma_start3A_69 = arith.constant 0 : i32
          %dma_start3A_70 = tpu.memref_slice %arg3[%add3A_44, %dma_start3A_69] : memref<2560x128xi32, #tpu.memory_space<hbm>> -> memref<40x128xi32, #tpu.memory_space<hbm>>
          tpu.enqueue_dma source(%dma_start3A_70 : memref<40x128xi32, #tpu.memory_space<hbm>>) target(%arg7 : memref<40x128xi32, #tpu.memory_space<vmem>>) target_semaphore(%run_scoped3A : memref<!tpu.dma_semaphore, #tpu.memory_space<semaphore_mem>>)
          %dma_wait3A = arith.constant 0 : i32
          %dma_wait3A_71 = tpu.memref_slice %arg3[%add3A_44, %dma_wait3A] : memref<2560x128xi32, #tpu.memory_space<hbm>> -> memref<40x128xi32, #tpu.memory_space<hbm>>
          %dma_wait3A_72 = arith.constant 0 : i32
          %dma_wait3A_73 = tpu.memref_slice %arg3[%add3A_44, %dma_wait3A_72] : memref<2560x128xi32, #tpu.memory_space<hbm>> -> memref<40x128xi32, #tpu.memory_space<hbm>>
          tpu.wait_dma2 semaphore(%run_scoped3A : memref<!tpu.dma_semaphore, #tpu.memory_space<semaphore_mem>>) src(%dma_wait3A_73 : memref<40x128xi32, #tpu.memory_space<hbm>>) dst(%arg7 : memref<40x128xi32, #tpu.memory_space<vmem>>)
          tpu.yield
        }) : () -> ()
        "tpu.region"() ({
          %run_scoped3A = tpu.sem_alloc : memref<!tpu.dma_semaphore, #tpu.memory_space<semaphore_mem>>
          %dma_start3A_67 = arith.constant 0 : i32
          %dma_start3A_68 = tpu.memref_slice %arg4[%add3A_44, %dma_start3A_67] : memref<2560x128xi32, #tpu.memory_space<hbm>> -> memref<40x128xi32, #tpu.memory_space<hbm>>
          %dma_start3A_69 = arith.constant 0 : i32
          %dma_start3A_70 = tpu.memref_slice %arg4[%add3A_44, %dma_start3A_69] : memref<2560x128xi32, #tpu.memory_space<hbm>> -> memref<40x128xi32, #tpu.memory_space<hbm>>
          tpu.enqueue_dma source(%dma_start3A_70 : memref<40x128xi32, #tpu.memory_space<hbm>>) target(%arg8 : memref<40x128xi32, #tpu.memory_space<vmem>>) target_semaphore(%run_scoped3A : memref<!tpu.dma_semaphore, #tpu.memory_space<semaphore_mem>>)
          %dma_wait3A = arith.constant 0 : i32
          %dma_wait3A_71 = tpu.memref_slice %arg4[%add3A_44, %dma_wait3A] : memref<2560x128xi32, #tpu.memory_space<hbm>> -> memref<40x128xi32, #tpu.memory_space<hbm>>
          %dma_wait3A_72 = arith.constant 0 : i32
          %dma_wait3A_73 = tpu.memref_slice %arg4[%add3A_44, %dma_wait3A_72] : memref<2560x128xi32, #tpu.memory_space<hbm>> -> memref<40x128xi32, #tpu.memory_space<hbm>>
          tpu.wait_dma2 semaphore(%run_scoped3A : memref<!tpu.dma_semaphore, #tpu.memory_space<semaphore_mem>>) src(%dma_wait3A_73 : memref<40x128xi32, #tpu.memory_space<hbm>>) dst(%arg8 : memref<40x128xi32, #tpu.memory_space<vmem>>)
          tpu.yield
        }) : () -> ()
        %dma_start3A_53 = arith.constant 0 : i32
        %dma_start3A_54 = arith.constant 0 : i32
        %dma_start3A_55 = tpu.memref_slice %arg7[%dma_start3A_53, %dma_start3A_54] : memref<40x128xi32, #tpu.memory_space<vmem>> -> memref<1x128xi32, #tpu.memory_space<vmem>>
        %dma_start3A_56 = tpu.memref_squeeze %dma_start3A_55 : memref<1x128xi32, #tpu.memory_space<vmem>> -> memref<128xi32, #tpu.memory_space<vmem>>
        %dma_start3A_57 = arith.constant 0 : i32
        %dma_start3A_58 = arith.constant 0 : i32
        %dma_start3A_59 = tpu.memref_slice %arg2[%dma_start3A_57, %dma_start3A_58] : memref<10240x128xf32, #tpu.memory_space<hbm>> -> memref<10240x128xf32, #tpu.memory_space<hbm>>
        tpu.enqueue_indirect_dma source(%dma_start3A_59 : memref<10240x128xf32, #tpu.memory_space<hbm>>) target(%arg9 : memref<128x128xf32, #tpu.memory_space<vmem>>) offsets(%dma_start3A_56 : memref<128xi32, #tpu.memory_space<vmem>>) semaphore(%arg12 : memref<!tpu.dma_semaphore, #tpu.memory_space<semaphore_mem>>)
        %dma_start3A_60 = arith.constant 1 : i32
        %dma_start3A_61 = arith.constant 0 : i32
        %dma_start3A_62 = tpu.memref_slice %arg7[%dma_start3A_60, %dma_start3A_61] : memref<40x128xi32, #tpu.memory_space<vmem>> -> memref<1x128xi32, #tpu.memory_space<vmem>>
        %dma_start3A_63 = tpu.memref_squeeze %dma_start3A_62 : memref<1x128xi32, #tpu.memory_space<vmem>> -> memref<128xi32, #tpu.memory_space<vmem>>
        %dma_start3A_64 = arith.constant 0 : i32
        %dma_start3A_65 = arith.constant 0 : i32
        %dma_start3A_66 = tpu.memref_slice %arg2[%dma_start3A_64, %dma_start3A_65] : memref<10240x128xf32, #tpu.memory_space<hbm>> -> memref<10240x128xf32, #tpu.memory_space<hbm>>
        tpu.enqueue_indirect_dma source(%dma_start3A_66 : memref<10240x128xf32, #tpu.memory_space<hbm>>) target(%arg10 : memref<128x128xf32, #tpu.memory_space<vmem>>) offsets(%dma_start3A_63 : memref<128xi32, #tpu.memory_space<vmem>>) semaphore(%arg13 : memref<!tpu.dma_semaphore, #tpu.memory_space<semaphore_mem>>)
      } else {
      }
      %scan3A_47 = arith.constant 0 : i32
      %scan3A_48 = arith.constant 0 : i32
      %scan3A_49 = arith.constant 20 : i32
      %scan3A_50 = arith.addi %scan3A_48, %scan3A_49 : i32
      %scan3A_51 = arith.constant 1 : i32
      scf.for %scan3A_53 = %scan3A_48 to %scan3A_50 step %scan3A_51  : i32 {
        %mul3A_54 = arith.constant 2 : i32
        %mul3A_55 = arith.muli %scan3A_53, %mul3A_54 : i32
        %add3A_56 = arith.constant 0 : i32
        %add3A_57 = arith.addi %mul3A_55, %add3A_56 : i32
        %dma_wait3A = arith.constant 0 : i32
        %dma_wait3A_58 = tpu.memref_slice %arg7[%add3A_57, %dma_wait3A] : memref<40x128xi32, #tpu.memory_space<vmem>> -> memref<1x128xi32, #tpu.memory_space<vmem>>
        %dma_wait3A_59 = tpu.memref_squeeze %dma_wait3A_58 : memref<1x128xi32, #tpu.memory_space<vmem>> -> memref<128xi32, #tpu.memory_space<vmem>>
        %dma_wait3A_60 = arith.constant 0 : i32
        %dma_wait3A_61 = arith.constant 0 : i32
        %dma_wait3A_62 = tpu.memref_slice %arg2[%dma_wait3A_60, %dma_wait3A_61] : memref<10240x128xf32, #tpu.memory_space<hbm>> -> memref<10240x128xf32, #tpu.memory_space<hbm>>
        tpu.wait_indirect_dma semaphore(%arg12 : memref<!tpu.dma_semaphore, #tpu.memory_space<semaphore_mem>>) src(%dma_wait3A_62 : memref<10240x128xf32, #tpu.memory_space<hbm>>) dst(%arg9 : memref<128x128xf32, #tpu.memory_space<vmem>>)
        "tpu.region"() ({
          %run_scoped3A = tpu.sem_alloc : memref<!tpu.dma_semaphore, #tpu.memory_space<semaphore_mem>>
          %dma_start3A_86 = arith.constant 0 : i32
          %dma_start3A_87 = tpu.memref_slice %arg8[%add3A_57, %dma_start3A_86] : memref<40x128xi32, #tpu.memory_space<vmem>> -> memref<1x128xi32, #tpu.memory_space<vmem>>
          %dma_start3A_88 = tpu.memref_squeeze %dma_start3A_87 : memref<1x128xi32, #tpu.memory_space<vmem>> -> memref<128xi32, #tpu.memory_space<vmem>>
          %dma_start3A_89 = arith.constant 0 : i32
          %dma_start3A_90 = arith.constant 0 : i32
          %dma_start3A_91 = tpu.memref_slice %arg6[%dma_start3A_89, %dma_start3A_90] : memref<10240x128xf32, #tpu.memory_space<vmem_shared>> -> memref<10240x128xf32, #tpu.memory_space<vmem_shared>>
          tpu.enqueue_indirect_dma source(%arg9 : memref<128x128xf32, #tpu.memory_space<vmem>>) target(%dma_start3A_91 : memref<10240x128xf32, #tpu.memory_space<vmem_shared>>) offsets(%dma_start3A_88 : memref<128xi32, #tpu.memory_space<vmem>>) semaphore(%run_scoped3A : memref<!tpu.dma_semaphore, #tpu.memory_space<semaphore_mem>>) {add = true}
          %dma_wait3A_92 = arith.constant 0 : i32
          %dma_wait3A_93 = tpu.memref_slice %arg8[%add3A_57, %dma_wait3A_92] : memref<40x128xi32, #tpu.memory_space<vmem>> -> memref<1x128xi32, #tpu.memory_space<vmem>>
          %dma_wait3A_94 = tpu.memref_squeeze %dma_wait3A_93 : memref<1x128xi32, #tpu.memory_space<vmem>> -> memref<128xi32, #tpu.memory_space<vmem>>
          %dma_wait3A_95 = arith.constant 0 : i32
          %dma_wait3A_96 = arith.constant 0 : i32
          %dma_wait3A_97 = tpu.memref_slice %arg6[%dma_wait3A_95, %dma_wait3A_96] : memref<10240x128xf32, #tpu.memory_space<vmem_shared>> -> memref<10240x128xf32, #tpu.memory_space<vmem_shared>>
          tpu.wait_indirect_dma semaphore(%run_scoped3A : memref<!tpu.dma_semaphore, #tpu.memory_space<semaphore_mem>>) src(%arg9 : memref<128x128xf32, #tpu.memory_space<vmem>>) dst(%dma_wait3A_97 : memref<10240x128xf32, #tpu.memory_space<vmem_shared>>)
          tpu.yield
        }) : () -> ()
        %add3A_63 = arith.constant 2 : i32
        %add3A_64 = arith.addi %add3A_57, %add3A_63 : i32
        %lt3A = arith.constant 40 : i32
        %lt3A_65 = arith.cmpi slt, %add3A_64, %lt3A : i32
        %convert_element_type3A_66 = arith.extui %lt3A_65 : i1 to i32
        %cond3A_67 = arith.constant 0 : i32
        %cond3A_68 = arith.cmpi ne, %convert_element_type3A_66, %cond3A_67 : i32
        scf.if %cond3A_68 {
          %add3A_86 = arith.constant 2 : i32
          %add3A_87 = arith.addi %add3A_57, %add3A_86 : i32
          %dma_start3A_88 = arith.constant 0 : i32
          %dma_start3A_89 = tpu.memref_slice %arg7[%add3A_87, %dma_start3A_88] : memref<40x128xi32, #tpu.memory_space<vmem>> -> memref<1x128xi32, #tpu.memory_space<vmem>>
          %dma_start3A_90 = tpu.memref_squeeze %dma_start3A_89 : memref<1x128xi32, #tpu.memory_space<vmem>> -> memref<128xi32, #tpu.memory_space<vmem>>
          %dma_start3A_91 = arith.constant 0 : i32
          %dma_start3A_92 = arith.constant 0 : i32
          %dma_start3A_93 = tpu.memref_slice %arg2[%dma_start3A_91, %dma_start3A_92] : memref<10240x128xf32, #tpu.memory_space<hbm>> -> memref<10240x128xf32, #tpu.memory_space<hbm>>
          tpu.enqueue_indirect_dma source(%dma_start3A_93 : memref<10240x128xf32, #tpu.memory_space<hbm>>) target(%arg9 : memref<128x128xf32, #tpu.memory_space<vmem>>) offsets(%dma_start3A_90 : memref<128xi32, #tpu.memory_space<vmem>>) semaphore(%arg12 : memref<!tpu.dma_semaphore, #tpu.memory_space<semaphore_mem>>)
        } else {
        }
        %mul3A_69 = arith.constant 2 : i32
        %mul3A_70 = arith.muli %scan3A_53, %mul3A_69 : i32
        %add3A_71 = arith.constant 1 : i32
        %add3A_72 = arith.addi %mul3A_70, %add3A_71 : i32
        %dma_wait3A_73 = arith.constant 0 : i32
        %dma_wait3A_74 = tpu.memref_slice %arg7[%add3A_72, %dma_wait3A_73] : memref<40x128xi32, #tpu.memory_space<vmem>> -> memref<1x128xi32, #tpu.memory_space<vmem>>
        %dma_wait3A_75 = tpu.memref_squeeze %dma_wait3A_74 : memref<1x128xi32, #tpu.memory_space<vmem>> -> memref<128xi32, #tpu.memory_space<vmem>>
        %dma_wait3A_76 = arith.constant 0 : i32
        %dma_wait3A_77 = arith.constant 0 : i32
        %dma_wait3A_78 = tpu.memref_slice %arg2[%dma_wait3A_76, %dma_wait3A_77] : memref<10240x128xf32, #tpu.memory_space<hbm>> -> memref<10240x128xf32, #tpu.memory_space<hbm>>
        tpu.wait_indirect_dma semaphore(%arg13 : memref<!tpu.dma_semaphore, #tpu.memory_space<semaphore_mem>>) src(%dma_wait3A_78 : memref<10240x128xf32, #tpu.memory_space<hbm>>) dst(%arg10 : memref<128x128xf32, #tpu.memory_space<vmem>>)
        "tpu.region"() ({
          %run_scoped3A = tpu.sem_alloc : memref<!tpu.dma_semaphore, #tpu.memory_space<semaphore_mem>>
          %dma_start3A_86 = arith.constant 0 : i32
          %dma_start3A_87 = tpu.memref_slice %arg8[%add3A_72, %dma_start3A_86] : memref<40x128xi32, #tpu.memory_space<vmem>> -> memref<1x128xi32, #tpu.memory_space<vmem>>
          %dma_start3A_88 = tpu.memref_squeeze %dma_start3A_87 : memref<1x128xi32, #tpu.memory_space<vmem>> -> memref<128xi32, #tpu.memory_space<vmem>>
          %dma_start3A_89 = arith.constant 0 : i32
          %dma_start3A_90 = arith.constant 0 : i32
          %dma_start3A_91 = tpu.memref_slice %arg6[%dma_start3A_89, %dma_start3A_90] : memref<10240x128xf32, #tpu.memory_space<vmem_shared>> -> memref<10240x128xf32, #tpu.memory_space<vmem_shared>>
          tpu.enqueue_indirect_dma source(%arg10 : memref<128x128xf32, #tpu.memory_space<vmem>>) target(%dma_start3A_91 : memref<10240x128xf32, #tpu.memory_space<vmem_shared>>) offsets(%dma_start3A_88 : memref<128xi32, #tpu.memory_space<vmem>>) semaphore(%run_scoped3A : memref<!tpu.dma_semaphore, #tpu.memory_space<semaphore_mem>>) {add = true}
          %dma_wait3A_92 = arith.constant 0 : i32
          %dma_wait3A_93 = tpu.memref_slice %arg8[%add3A_72, %dma_wait3A_92] : memref<40x128xi32, #tpu.memory_space<vmem>> -> memref<1x128xi32, #tpu.memory_space<vmem>>
          %dma_wait3A_94 = tpu.memref_squeeze %dma_wait3A_93 : memref<1x128xi32, #tpu.memory_space<vmem>> -> memref<128xi32, #tpu.memory_space<vmem>>
          %dma_wait3A_95 = arith.constant 0 : i32
          %dma_wait3A_96 = arith.constant 0 : i32
          %dma_wait3A_97 = tpu.memref_slice %arg6[%dma_wait3A_95, %dma_wait3A_96] : memref<10240x128xf32, #tpu.memory_space<vmem_shared>> -> memref<10240x128xf32, #tpu.memory_space<vmem_shared>>
          tpu.wait_indirect_dma semaphore(%run_scoped3A : memref<!tpu.dma_semaphore, #tpu.memory_space<semaphore_mem>>) src(%arg10 : memref<128x128xf32, #tpu.memory_space<vmem>>) dst(%dma_wait3A_97 : memref<10240x128xf32, #tpu.memory_space<vmem_shared>>)
          tpu.yield
        }) : () -> ()
        %add3A_79 = arith.constant 2 : i32
        %add3A_80 = arith.addi %add3A_72, %add3A_79 : i32
        %lt3A_81 = arith.constant 40 : i32
        %lt3A_82 = arith.cmpi slt, %add3A_80, %lt3A_81 : i32
        %convert_element_type3A_83 = arith.extui %lt3A_82 : i1 to i32
        %cond3A_84 = arith.constant 0 : i32
        %cond3A_85 = arith.cmpi ne, %convert_element_type3A_83, %cond3A_84 : i32
        scf.if %cond3A_85 {
          %add3A_86 = arith.constant 2 : i32
          %add3A_87 = arith.addi %add3A_72, %add3A_86 : i32
          %dma_start3A_88 = arith.constant 0 : i32
          %dma_start3A_89 = tpu.memref_slice %arg7[%add3A_87, %dma_start3A_88] : memref<40x128xi32, #tpu.memory_space<vmem>> -> memref<1x128xi32, #tpu.memory_space<vmem>>
          %dma_start3A_90 = tpu.memref_squeeze %dma_start3A_89 : memref<1x128xi32, #tpu.memory_space<vmem>> -> memref<128xi32, #tpu.memory_space<vmem>>
          %dma_start3A_91 = arith.constant 0 : i32
          %dma_start3A_92 = arith.constant 0 : i32
          %dma_start3A_93 = tpu.memref_slice %arg2[%dma_start3A_91, %dma_start3A_92] : memref<10240x128xf32, #tpu.memory_space<hbm>> -> memref<10240x128xf32, #tpu.memory_space<hbm>>
          tpu.enqueue_indirect_dma source(%dma_start3A_93 : memref<10240x128xf32, #tpu.memory_space<hbm>>) target(%arg10 : memref<128x128xf32, #tpu.memory_space<vmem>>) offsets(%dma_start3A_90 : memref<128xi32, #tpu.memory_space<vmem>>) semaphore(%arg13 : memref<!tpu.dma_semaphore, #tpu.memory_space<semaphore_mem>>)
        } else {
        }
      }
      %scan3A_52 = arith.constant 20 : i32
    }
    %scan3A_32 = arith.constant 2 : i32
    %barrier3A_33 = arith.constant 0 : index
    tpu.barrier barrier_id(%barrier3A_33)
    %mul3A_34 = arith.constant 640 : i32
    %mul3A_35 = arith.muli %arg1, %mul3A_34 : i32
    %mul3A_36 = arith.constant 10240 : i32
    %mul3A_37 = arith.muli %arg0, %mul3A_36 : i32
    %mul3A_38 = arith.constant 640 : i32
    %mul3A_39 = arith.muli %arg1, %mul3A_38 : i32
    %add3A_40 = arith.addi %mul3A_37, %mul3A_39 : i32
    "tpu.region"() ({
      %run_scoped3A = tpu.sem_alloc : memref<!tpu.dma_semaphore, #tpu.memory_space<semaphore_mem>>
      %dma_start3A_41 = arith.constant 0 : i32
      %dma_start3A_42 = tpu.memref_slice %arg5[%add3A_40, %dma_start3A_41] : memref<20480x128xf32, #tpu.memory_space<hbm>> -> memref<640x128xf32, #tpu.memory_space<hbm>>
      %dma_start3A_43 = arith.constant 0 : i32
      %dma_start3A_44 = tpu.memref_slice %arg6[%mul3A_35, %dma_start3A_43] : memref<10240x128xf32, #tpu.memory_space<vmem_shared>> -> memref<640x128xf32, #tpu.memory_space<vmem_shared>>
      tpu.enqueue_dma source(%dma_start3A_44 : memref<640x128xf32, #tpu.memory_space<vmem_shared>>) target(%dma_start3A_42 : memref<640x128xf32, #tpu.memory_space<hbm>>) target_semaphore(%run_scoped3A : memref<!tpu.dma_semaphore, #tpu.memory_space<semaphore_mem>>)
      %dma_wait3A = arith.constant 0 : i32
      %dma_wait3A_45 = tpu.memref_slice %arg5[%add3A_40, %dma_wait3A] : memref<20480x128xf32, #tpu.memory_space<hbm>> -> memref<640x128xf32, #tpu.memory_space<hbm>>
      %dma_wait3A_46 = arith.constant 0 : i32
      %dma_wait3A_47 = tpu.memref_slice %arg6[%mul3A_35, %dma_wait3A_46] : memref<10240x128xf32, #tpu.memory_space<vmem_shared>> -> memref<640x128xf32, #tpu.memory_space<vmem_shared>>
      tpu.wait_dma2 semaphore(%run_scoped3A : memref<!tpu.dma_semaphore, #tpu.memory_space<semaphore_mem>>) src(%dma_wait3A_47 : memref<640x128xf32, #tpu.memory_space<vmem_shared>>) dst(%dma_wait3A_45 : memref<640x128xf32, #tpu.memory_space<hbm>>)
      tpu.yield
    }) : () -> ()
    return
  }
}

module attributes {stable_mosaic.version = 14 : i64} {
  func.func @_tc1_body(%arg0: memref<10240x1xf32, #tpu.memory_space<vmem>>, %arg1: memref<10240x1xf32, #tpu.memory_space<vmem>>, %arg2: memref<10000x128xf32, #tpu.memory_space<vmem>>, %arg3: memref<10240x1xf32, #tpu.memory_space<vmem>>, %arg4: memref<10240x128xf32, #tpu.memory_space<vmem>>) attributes {dimension_semantics = [], scalar_prefetch = 0 : i64, scratch_operands = 0 : i64, tpu.core_type = #tpu.core_type<tc>} {
    %get3A = arith.constant 0 : index
    %get3A_0 = arith.constant 0 : index
    %get3A_1 = vector.load %arg0[%get3A, %get3A_0] : memref<10240x1xf32, #tpu.memory_space<vmem>>, vector<10240x1xf32>
    %get3A_2 = arith.constant 0 : index
    %get3A_3 = arith.constant 0 : index
    %get3A_4 = vector.load %arg1[%get3A_2, %get3A_3] : memref<10240x1xf32, #tpu.memory_space<vmem>>, vector<10240x1xf32>
    %add3A = arith.addf %get3A_1, %get3A_4 : vector<10240x1xf32>
    %gt3A = arith.constant 0.000000e+00 : f32
    %gt3A_5 = vector.broadcast %gt3A : f32 to vector<10240x1xf32>
    %gt3A_6 = arith.cmpf ogt, %add3A, %gt3A_5 : vector<10240x1xf32>
    %rsqrt3A = math.rsqrt %add3A : vector<10240x1xf32>
    %jit3A = arith.constant 0.000000e+00 : f32
    %broadcast_in_dim3A = vector.broadcast %jit3A : f32 to vector<10240x1xf32>
    %select_n3A = arith.select %gt3A_6, %rsqrt3A, %broadcast_in_dim3A : vector<10240x1xi1>, vector<10240x1xf32>
    %swap3A = arith.constant 0 : index
    %swap3A_7 = arith.constant 0 : index
    %swap3A_8 = vector.load %arg3[%swap3A, %swap3A_7] : memref<10240x1xf32, #tpu.memory_space<vmem>>, vector<10240x1xf32>
    tpu.vector_store %arg3[%swap3A, %swap3A_7], %select_n3A {strides = array<i32>} : memref<10240x1xf32, #tpu.memory_space<vmem>>, vector<10240x1xf32>,
    %get3A_9 = arith.constant 0 : index
    %get3A_10 = arith.constant 0 : index
    %get3A_11 = vector.load %arg2[%get3A_9, %get3A_10] : memref<10000x128xf32, #tpu.memory_space<vmem>>, vector<10000x128xf32>
    %slice3A = vector.extract_strided_slice %select_n3A {offsets = [0, 0], sizes = [10000, 1], strides = [1, 1]} : vector<10240x1xf32> to vector<10000x1xf32>
    %mul3A = vector.broadcast %slice3A : vector<10000x1xf32> to vector<10000x128xf32>
    %mul3A_12 = arith.mulf %get3A_11, %mul3A : vector<10000x128xf32>
    %swap3A_13 = arith.constant 0 : index
    %swap3A_14 = arith.constant 0 : index
    %swap3A_15 = vector.load %arg4[%swap3A_13, %swap3A_14] : memref<10240x128xf32, #tpu.memory_space<vmem>>, vector<10000x128xf32>
    tpu.vector_store %arg4[%swap3A_13, %swap3A_14], %mul3A_12 {strides = array<i32>} : memref<10240x128xf32, #tpu.memory_space<vmem>>, vector<10000x128xf32>,
    return
  }
}

module attributes {stable_mosaic.version = 14 : i64} {
  func.func @_tc2_body(%arg0: memref<2x10240x128xf32, #tpu.memory_space<vmem>>, %arg1: memref<10240x1xf32, #tpu.memory_space<vmem>>, %arg2: memref<10240x128xf32, #tpu.memory_space<vmem>>) attributes {dimension_semantics = [], scalar_prefetch = 0 : i64, scratch_operands = 0 : i64, tpu.core_type = #tpu.core_type<tc>} {
    %get3A = arith.constant 0 : index
    %get3A_0 = arith.constant 0 : index
    %get3A_1 = arith.constant 0 : index
    %get3A_2 = vector.load %arg0[%get3A, %get3A_0, %get3A_1] : memref<2x10240x128xf32, #tpu.memory_space<vmem>>, vector<1x10000x128xf32>
    %get3A_3 = vector.shape_cast %get3A_2 : vector<1x10000x128xf32> to vector<10000x128xf32>
    %get3A_4 = arith.constant 1 : index
    %get3A_5 = arith.constant 0 : index
    %get3A_6 = arith.constant 0 : index
    %get3A_7 = vector.load %arg0[%get3A_4, %get3A_5, %get3A_6] : memref<2x10240x128xf32, #tpu.memory_space<vmem>>, vector<1x10000x128xf32>
    %get3A_8 = vector.shape_cast %get3A_7 : vector<1x10000x128xf32> to vector<10000x128xf32>
    %add3A = arith.addf %get3A_3, %get3A_8 : vector<10000x128xf32>
    %get3A_9 = arith.constant 0 : index
    %get3A_10 = arith.constant 0 : index
    %get3A_11 = vector.load %arg1[%get3A_9, %get3A_10] : memref<10240x1xf32, #tpu.memory_space<vmem>>, vector<10000x1xf32>
    %mul3A = arith.mulf %get3A_11, %get3A_11 : vector<10000x1xf32>
    %mul3A_12 = vector.broadcast %mul3A : vector<10000x1xf32> to vector<10000x128xf32>
    %mul3A_13 = arith.mulf %mul3A_12, %add3A : vector<10000x128xf32>
    %neg3A = arith.constant 0.000000e+00 : f32
    %neg3A_14 = vector.broadcast %neg3A : f32 to vector<10000x128xf32>
    %neg3A_15 = arith.subf %neg3A_14, %mul3A_13 : vector<10000x128xf32>
    %swap3A = arith.constant 0 : index
    %swap3A_16 = arith.constant 0 : index
    %swap3A_17 = vector.load %arg2[%swap3A, %swap3A_16] : memref<10240x128xf32, #tpu.memory_space<vmem>>, vector<10000x128xf32>
    tpu.vector_store %arg2[%swap3A, %swap3A_16], %neg3A_15 {strides = array<i32>} : memref<10240x128xf32, #tpu.memory_space<vmem>>, vector<10000x128xf32>,
    return
  }
}

module attributes {stable_mosaic.version = 14 : i64} {
  func.func @_tc3_body(%arg0: memref<2x10240x128xf32, #tpu.memory_space<vmem>>, %arg1: memref<10240x1xf32, #tpu.memory_space<vmem>>, %arg2: memref<10000x128xf32, #tpu.memory_space<vmem>>, %arg3: memref<10240x128xf32, #tpu.memory_space<vmem>>, %arg4: memref<3x128x128xf32, #tpu.memory_space<vmem>>, %arg5: memref<1x128xf32, #tpu.memory_space<vmem>>, %arg6: memref<128x128xf32, #tpu.memory_space<vmem>>, %arg7: memref<1x128xf32, #tpu.memory_space<vmem>>, %arg8: memref<1x128xf32, #tpu.memory_space<vmem>>, %arg9: memref<1x128xf32, #tpu.memory_space<vmem>>, %arg10: memref<10000x128xf32, #tpu.memory_space<vmem>>) attributes {dimension_semantics = [], scalar_prefetch = 0 : i64, scratch_operands = 0 : i64, tpu.core_type = #tpu.core_type<tc>} {
    %get3A = arith.constant 0 : index
    %get3A_0 = arith.constant 0 : index
    %get3A_1 = arith.constant 0 : index
    %get3A_2 = vector.load %arg0[%get3A, %get3A_0, %get3A_1] : memref<2x10240x128xf32, #tpu.memory_space<vmem>>, vector<1x10000x128xf32>
    %get3A_3 = vector.shape_cast %get3A_2 : vector<1x10000x128xf32> to vector<10000x128xf32>
    %get3A_4 = arith.constant 1 : index
    %get3A_5 = arith.constant 0 : index
    %get3A_6 = arith.constant 0 : index
    %get3A_7 = vector.load %arg0[%get3A_4, %get3A_5, %get3A_6] : memref<2x10240x128xf32, #tpu.memory_space<vmem>>, vector<1x10000x128xf32>
    %get3A_8 = vector.shape_cast %get3A_7 : vector<1x10000x128xf32> to vector<10000x128xf32>
    %add3A = arith.addf %get3A_3, %get3A_8 : vector<10000x128xf32>
    %get3A_9 = arith.constant 0 : index
    %get3A_10 = arith.constant 0 : index
    %get3A_11 = vector.load %arg1[%get3A_9, %get3A_10] : memref<10240x1xf32, #tpu.memory_space<vmem>>, vector<10000x1xf32>
    %get3A_12 = arith.constant 0 : index
    %get3A_13 = arith.constant 0 : index
    %get3A_14 = vector.load %arg2[%get3A_12, %get3A_13] : memref<10000x128xf32, #tpu.memory_space<vmem>>, vector<10000x128xf32>
    %get3A_15 = arith.constant 0 : index
    %get3A_16 = arith.constant 0 : index
    %get3A_17 = vector.load %arg3[%get3A_15, %get3A_16] : memref<10240x128xf32, #tpu.memory_space<vmem>>, vector<10000x128xf32>
    %gt3A = arith.constant 0.000000e+00 : f32
    %gt3A_18 = vector.broadcast %gt3A : f32 to vector<10000x1xf32>
    %gt3A_19 = arith.cmpf ogt, %get3A_11, %gt3A_18 : vector<10000x1xf32>
    %div3A = arith.constant 1.000000e+00 : f32
    %div3A_20 = vector.broadcast %div3A : f32 to vector<10000x1xf32>
    %div3A_21 = arith.divf %div3A_20, %get3A_11 : vector<10000x1xf32>
    %jit3A = arith.constant 0.000000e+00 : f32
    %broadcast_in_dim3A = vector.broadcast %jit3A : f32 to vector<10000x1xf32>
    %select_n3A = arith.select %gt3A_19, %div3A_21, %broadcast_in_dim3A : vector<10000x1xi1>, vector<10000x1xf32>
    %mul3A = vector.broadcast %select_n3A : vector<10000x1xf32> to vector<10000x128xf32>
    %mul3A_22 = arith.mulf %get3A_17, %mul3A : vector<10000x128xf32>
    %mul3A_23 = vector.broadcast %get3A_11 : vector<10000x1xf32> to vector<10000x128xf32>
    %mul3A_24 = arith.mulf %mul3A_23, %add3A : vector<10000x128xf32>
    %mul3A_25 = arith.constant -2.000000e+00 : f32
    %mul3A_26 = vector.broadcast %mul3A_25 : f32 to vector<10000x128xf32>
    %mul3A_27 = arith.mulf %mul3A_26, %mul3A_24 : vector<10000x128xf32>
    %sub3A = arith.subf %mul3A_27, %get3A_14 : vector<10000x128xf32>
    %get3A_28 = arith.constant 0 : index
    %get3A_29 = arith.constant 0 : index
    %get3A_30 = arith.constant 0 : index
    %get3A_31 = vector.load %arg4[%get3A_28, %get3A_29, %get3A_30] : memref<3x128x128xf32, #tpu.memory_space<vmem>>, vector<1x128x128xf32>
    %get3A_32 = vector.shape_cast %get3A_31 : vector<1x128x128xf32> to vector<128x128xf32>
    %dot_general3A = arith.constant dense<0.000000e+00> : vector<10000x128xf32>
    %dot_general3A_33 = tpu.matmul %get3A_14, %get3A_32, %dot_general3A {dimension_numbers = #tpu.dot_dimension_numbers<[1], [0], [0], [1], [0, 0, 1, 1], [], []>, transpose_lhs_hint = false} : vector<10000x128xf32>, vector<128x128xf32>, vector<10000x128xf32> -> vector<10000x128xf32>
    %get3A_34 = arith.constant 1 : index
    %get3A_35 = arith.constant 0 : index
    %get3A_36 = arith.constant 0 : index
    %get3A_37 = vector.load %arg4[%get3A_34, %get3A_35, %get3A_36] : memref<3x128x128xf32, #tpu.memory_space<vmem>>, vector<1x128x128xf32>
    %get3A_38 = vector.shape_cast %get3A_37 : vector<1x128x128xf32> to vector<128x128xf32>
    %dot_general3A_39 = arith.constant dense<0.000000e+00> : vector<10000x128xf32>
    %dot_general3A_40 = tpu.matmul %mul3A_22, %get3A_38, %dot_general3A_39 {dimension_numbers = #tpu.dot_dimension_numbers<[1], [0], [0], [1], [0, 0, 1, 1], [], []>, transpose_lhs_hint = false} : vector<10000x128xf32>, vector<128x128xf32>, vector<10000x128xf32> -> vector<10000x128xf32>
    %add3A_41 = arith.addf %dot_general3A_33, %dot_general3A_40 : vector<10000x128xf32>
    %get3A_42 = arith.constant 2 : index
    %get3A_43 = arith.constant 0 : index
    %get3A_44 = arith.constant 0 : index
    %get3A_45 = vector.load %arg4[%get3A_42, %get3A_43, %get3A_44] : memref<3x128x128xf32, #tpu.memory_space<vmem>>, vector<1x128x128xf32>
    %get3A_46 = vector.shape_cast %get3A_45 : vector<1x128x128xf32> to vector<128x128xf32>
    %dot_general3A_47 = arith.constant dense<0.000000e+00> : vector<10000x128xf32>
    %dot_general3A_48 = tpu.matmul %sub3A, %get3A_46, %dot_general3A_47 {dimension_numbers = #tpu.dot_dimension_numbers<[1], [0], [0], [1], [0, 0, 1, 1], [], []>, transpose_lhs_hint = false} : vector<10000x128xf32>, vector<128x128xf32>, vector<10000x128xf32> -> vector<10000x128xf32>
    %add3A_49 = arith.addf %add3A_41, %dot_general3A_48 : vector<10000x128xf32>
    %get3A_50 = arith.constant 0 : index
    %get3A_51 = arith.constant 0 : index
    %get3A_52 = vector.load %arg5[%get3A_50, %get3A_51] : memref<1x128xf32, #tpu.memory_space<vmem>>, vector<1x128xf32>
    %add3A_53 = vector.broadcast %get3A_52 : vector<1x128xf32> to vector<10000x128xf32>
    %add3A_54 = arith.addf %add3A_49, %add3A_53 : vector<10000x128xf32>
    %reduce_sum3A = arith.constant dense<0.000000e+00> : vector<128xf32>
    %reduce_sum3A_55 = vector.multi_reduction <add>, %add3A_54, %reduce_sum3A [0] : vector<10000x128xf32> to vector<128xf32>
    %broadcast_in_dim3A_56 = vector.shape_cast %reduce_sum3A_55 : vector<128xf32> to vector<1x128xf32>
    %mul3A_57 = arith.constant 9.99999974E-5 : f32
    %mul3A_58 = vector.broadcast %mul3A_57 : f32 to vector<1x128xf32>
    %mul3A_59 = arith.mulf %broadcast_in_dim3A_56, %mul3A_58 : vector<1x128xf32>
    %mul3A_60 = arith.mulf %add3A_54, %add3A_54 : vector<10000x128xf32>
    %reduce_sum3A_61 = arith.constant dense<0.000000e+00> : vector<128xf32>
    %reduce_sum3A_62 = vector.multi_reduction <add>, %mul3A_60, %reduce_sum3A_61 [0] : vector<10000x128xf32> to vector<128xf32>
    %broadcast_in_dim3A_63 = vector.shape_cast %reduce_sum3A_62 : vector<128xf32> to vector<1x128xf32>
    %mul3A_64 = arith.constant 9.99999974E-5 : f32
    %mul3A_65 = vector.broadcast %mul3A_64 : f32 to vector<1x128xf32>
    %mul3A_66 = arith.mulf %broadcast_in_dim3A_63, %mul3A_65 : vector<1x128xf32>
    %mul3A_67 = arith.mulf %mul3A_59, %mul3A_59 : vector<1x128xf32>
    %sub3A_68 = arith.subf %mul3A_66, %mul3A_67 : vector<1x128xf32>
    %add3A_69 = arith.constant 9.99999974E-6 : f32
    %add3A_70 = vector.broadcast %add3A_69 : f32 to vector<1x128xf32>
    %add3A_71 = arith.addf %sub3A_68, %add3A_70 : vector<1x128xf32>
    %rsqrt3A = math.rsqrt %add3A_71 : vector<1x128xf32>
    %sub3A_72 = vector.broadcast %mul3A_59 : vector<1x128xf32> to vector<10000x128xf32>
    %sub3A_73 = arith.subf %add3A_54, %sub3A_72 : vector<10000x128xf32>
    %mul3A_74 = vector.broadcast %rsqrt3A : vector<1x128xf32> to vector<10000x128xf32>
    %mul3A_75 = arith.mulf %sub3A_73, %mul3A_74 : vector<10000x128xf32>
    %get3A_76 = arith.constant 0 : index
    %get3A_77 = arith.constant 0 : index
    %get3A_78 = vector.load %arg8[%get3A_76, %get3A_77] : memref<1x128xf32, #tpu.memory_space<vmem>>, vector<1x128xf32>
    %mul3A_79 = vector.broadcast %get3A_78 : vector<1x128xf32> to vector<10000x128xf32>
    %mul3A_80 = arith.mulf %mul3A_75, %mul3A_79 : vector<10000x128xf32>
    %get3A_81 = arith.constant 0 : index
    %get3A_82 = arith.constant 0 : index
    %get3A_83 = vector.load %arg9[%get3A_81, %get3A_82] : memref<1x128xf32, #tpu.memory_space<vmem>>, vector<1x128xf32>
    %add3A_84 = vector.broadcast %get3A_83 : vector<1x128xf32> to vector<10000x128xf32>
    %add3A_85 = arith.addf %mul3A_80, %add3A_84 : vector<10000x128xf32>
    %get3A_86 = arith.constant 0 : index
    %get3A_87 = arith.constant 0 : index
    %get3A_88 = vector.load %arg6[%get3A_86, %get3A_87] : memref<128x128xf32, #tpu.memory_space<vmem>>, vector<128x128xf32>
    %dot_general3A_89 = arith.constant dense<0.000000e+00> : vector<10000x128xf32>
    %dot_general3A_90 = tpu.matmul %get3A_14, %get3A_88, %dot_general3A_89 {dimension_numbers = #tpu.dot_dimension_numbers<[1], [0], [0], [1], [0, 0, 1, 1], [], []>, transpose_lhs_hint = false} : vector<10000x128xf32>, vector<128x128xf32>, vector<10000x128xf32> -> vector<10000x128xf32>
    %get3A_91 = arith.constant 0 : index
    %get3A_92 = arith.constant 0 : index
    %get3A_93 = vector.load %arg7[%get3A_91, %get3A_92] : memref<1x128xf32, #tpu.memory_space<vmem>>, vector<1x128xf32>
    %add3A_94 = vector.broadcast %get3A_93 : vector<1x128xf32> to vector<10000x128xf32>
    %add3A_95 = arith.addf %dot_general3A_90, %add3A_94 : vector<10000x128xf32>
    %max3A = arith.constant 0.000000e+00 : f32
    %max3A_96 = vector.broadcast %max3A : f32 to vector<10000x128xf32>
    %max3A_97 = arith.maximumf %add3A_85, %max3A_96 : vector<10000x128xf32>
    %add3A_98 = arith.addf %max3A_97, %add3A_95 : vector<10000x128xf32>
    %swap3A = arith.constant 0 : index
    %swap3A_99 = arith.constant 0 : index
    %swap3A_100 = vector.load %arg10[%swap3A, %swap3A_99] : memref<10000x128xf32, #tpu.memory_space<vmem>>, vector<10000x128xf32>
    tpu.vector_store %arg10[%swap3A, %swap3A_99], %add3A_98 {strides = array<i32>} : memref<10000x128xf32, #tpu.memory_space<vmem>>, vector<10000x128xf32>,
    return
  }
}

</mosaic_0001>

<sc_bundles>
// kernel: kernel.11.cloned.1.call-start
scs
__scs_entry_jumppad:
0x0: {  	(pc) =	sbr.rel $0x88, $3  }
0x1: {  	(tag) =	ssettag $0x0;
	lr =	simm.s32 $0x1  }
0x2: {  	[smem:$0x3F99] =	sst lr;
	_ =	strace $0xD0000000  }
0x3: {  	_ = 	snop  }
0x4: {  	_ = 	snop  }
0x5: {  	_ = 	snop  }
0x6: {  	_ = 	snop  }
0x7: {  	_ = 	snop  }
__scs_overlays_trampoline_lowered:
0x8: {  	[smem:$0x3FA8] =	sst s0  }
0x9: {  	[smem:$0x3FA9] =	sst s1  }
0xa: {  	[smem:$0x3FAA] =	sst s2  }
0xb: {  	[smem:$0x3FAB] =	sst s3  }
0xc: {  	[smem:$0x3FAC] =	sst s4  }
0xd: {  	[smem:$0x3FAD] =	sst s5  }
0xe: {  	[smem:$0x3FAE] =	sst s6  }
0xf: {  	[smem:$0x3FAF] =	sst s7  }
0x10: {  	[smem:$0x3FB0] =	sst s8  }
0x11: {  	[smem:$0x3FB1] =	sst s9;
	s0 =	simm.s32 @!p0 $0x0  }
0x12: {  	s1 =	sld [smem:$0x3F97];
	s0 =	simm.s32 @p0 $0x1  }
0x13: {  	[smem:$0x3FB2] =	sst s0;
	s0 =	simm.s32 @!p1 $0x0  }
0x14: {  	s2 =	sld [smem:$0x3F96];
	s0 =	simm.s32 @p1 $0x1  }
0x15: {  	[smem:$0x3FB3] =	sst s0;
	s0 =	simm.s32 @!p2 $0x0  }
0x16: {  	s3 =	sld [smem:$0x3FDB];
	s0 =	simm.s32 @p2 $0x1  }
0x17: {  	s4 =	simm.s32 $0x1BF5;
	[smem:$0x3FB5] =	sst s0  }
0x18: {  	s0 =	sld [smem:$0x3F98];
	_ =	swait.ge [sflag:s4], $0x0  }
0x19: {  	s7 =	sld [smem:$0x3F99]  }
0x1a: {  	s8 =	sadd.s32 $0xFFFFE003, lr  }
0x1b: {  	s9 =	sadd.s32 $0xFFFFFEF7, lr;
	s5 =	simm.s32 $0xFFFFFFFF;
	p2 =	slt.u32 s8, $0xFFFFF086  }
0x1c: {  	p1 =	slt.u32 s9, $0xF7A;
	s5 =	simm.s32 @!p2 $0x0  }
0x1d: {  	s5 =	simm.s32 @p1 $0x1;
	p0 =	seq.s32 s7, s2  }
0x1e: {  	s7 =	smul.u32 @!p0 $0xF7A, s2;
	p2 =	seq.s32 @!p0 s5, $0x0  }
0x1f: {  	s9 =	smul.u32 $0xF7A, s1;
	s8 =	simm.s32 @!p0 $0x1BF5;
	p2 =	por !p2, p0  }
0x20: {  	[sflag:s8] =	ssyncset.s32 @!p0 $0xFFFFF086;
	s6 =	sadd.s32 @!p0 s3, s7;
	s7 =	simm.s32 @!p0 $0x108  }
0x21: {  	s3 =	sadd.s32 s3, s9;
	s6 =	sadd.s32 @!p0 $0x88, s6;
	s7 =	simm.s32 @p2 $0x1082  }
0x22: {  	[simem:s7], [sflag:s8] =	dma.local @!p0 [hbm:s6], $0xF7A  }
0x23: {  	s9 =	sor.u32 $0xD0000000, s2;
	s6 =	simm.s32 $0x108;
	_ =	swait.ge @!p0 [sflag:s8], $0x0  }
0x24: {  	s3 =	sadd.s32 $0x88, s3;
	s6 =	simm.s32 @!p1 $0x1082;
	[sflag:s4] =	ssyncset.s32 $0xFFFFF086  }
0x25: {  	[simem:s6], [sflag:s4] =	dma.local [hbm:s3], $0xF7A  }
0x26: {  	[smem:$0x3F99] =	sst s1;
	(tag) =	ssettag s2;
	_ =	strace s9  }
0x27: {  	s1 =	sld [smem:$0x3FA9]  }
0x28: {  	s2 =	sld [smem:$0x3FAA]  }
0x29: {  	s4 =	sld [smem:$0x3FAC]  }
0x2a: {  	p0 =	seq.s32 s5, $0x0;
	s5 =	sld [smem:$0x3FAD]  }
0x2b: {  	s6 =	sld [smem:$0x3FAE]  }
0x2c: {  	s7 =	sld [smem:$0x3FAF]  }
0x2d: {  	s3 =	simm.s32 $0x108;
	s8 =	sld [smem:$0x3FB0]  }
0x2e: {  	s3 =	simm.s32 @!p0 $0x1082;
	s9 =	sld [smem:$0x3FB1]  }
0x2f: {  	lr =	sadd.s32 s0, s3;
	s0 =	sld [smem:$0x3FA8]  }
0x30: {  	s3 =	sld [smem:$0x3FAB]  }
0x31: {  	[smem:$0x3FB4] =	sst s10  }
0x32: {  	s10 =	sld [smem:$0x3FB2];
	_ =	sdelay $0x3  }
0x33: {  	p0 =	seq.s32 s10, $0x1;
	s10 =	sld [smem:$0x3FB4];
	_ =	sdelay $0x3  }
0x34: {  	[smem:$0x3FB4] =	sst s10  }
0x35: {  	s10 =	sld [smem:$0x3FB3];
	_ =	sdelay $0x3  }
0x36: {  	p1 =	seq.s32 s10, $0x1;
	s10 =	sld [smem:$0x3FB4];
	_ =	sdelay $0x3  }
0x37: {  	[smem:$0x3FB4] =	sst s10  }
0x38: {  	s10 =	sld [smem:$0x3FB5]  }
0x39: {  	_ = 	snop;
	(pc) =	sbr.ind lr, $3  }
0x3a: {  	_ = 	snop  }
0x3b: {  	_ = 	snop  }
0x3c: {  	p2 =	seq.s32 s10, $0x1;
	s10 =	sld [smem:$0x3FB4]  }
0x3d: {  	_ =	shalt  }
0x3e: {  	_ =	shalt  }
0x3f: {  	_ =	shalt  }
0x40: {  	_ =	shalt  }
0x41: {  	_ =	shalt  }
0x42: {  	_ =	shalt  }
0x43: {  	_ =	shalt  }
0x44: {  	_ =	shalt  }
0x45: {  	_ =	shalt  }
0x46: {  	_ =	shalt  }
0x47: {  	_ =	shalt  }
0x48: {  	_ =	shalt  }
0x49: {  	_ =	shalt  }
0x4a: {  	_ =	shalt  }
0x4b: {  	_ =	shalt  }
0x4c: {  	_ =	shalt  }
0x4d: {  	_ =	shalt  }
0x4e: {  	_ =	shalt  }
0x4f: {  	_ =	shalt  }
0x50: {  	_ =	shalt  }
0x51: {  	_ =	shalt  }
0x52: {  	_ =	shalt  }
0x53: {  	_ =	shalt  }
0x54: {  	_ =	shalt  }
0x55: {  	_ =	shalt  }
0x56: {  	_ =	shalt  }
0x57: {  	_ =	shalt  }
0x58: {  	_ =	shalt  }
0x59: {  	_ =	shalt  }
0x5a: {  	_ =	shalt  }
0x5b: {  	_ =	shalt  }
0x5c: {  	_ =	shalt  }
0x5d: {  	_ =	shalt  }
0x5e: {  	_ =	shalt  }
0x5f: {  	_ =	shalt  }
0x60: {  	_ =	shalt  }
0x61: {  	_ =	shalt  }
0x62: {  	_ =	shalt  }
0x63: {  	_ =	shalt  }
0x64: {  	_ =	shalt  }
0x65: {  	_ =	shalt  }
0x66: {  	_ =	shalt  }
0x67: {  	_ =	shalt  }
0x68: {  	_ =	shalt  }
0x69: {  	_ =	shalt  }
0x6a: {  	_ =	shalt  }
0x6b: {  	_ =	shalt  }
0x6c: {  	_ =	shalt  }
0x6d: {  	_ =	shalt  }
0x6e: {  	_ =	shalt  }
0x6f: {  	_ =	shalt  }
0x70: {  	_ =	shalt  }
0x71: {  	_ =	shalt  }
0x72: {  	_ =	shalt  }
0x73: {  	_ =	shalt  }
0x74: {  	_ =	shalt  }
0x75: {  	_ =	shalt  }
0x76: {  	_ =	shalt  }
0x77: {  	_ =	shalt  }
0x78: {  	_ =	shalt  }
0x79: {  	_ =	shalt  }
0x7a: {  	_ =	shalt  }
0x7b: {  	_ =	shalt  }
0x7c: {  	_ =	shalt  }
0x7d: {  	_ =	shalt  }
0x7e: {  	_ =	shalt  }
0x7f: {  	_ =	shalt  }
0x80: {  	_ =	shalt  }
0x81: {  	_ =	shalt  }
0x82: {  	_ =	shalt  }
0x83: {  	_ =	shalt  }
0x84: {  	_ =	shalt  }
0x85: {  	_ =	shalt  }
0x86: {  	_ =	shalt  }
0x87: {  	_ =	shalt  }
.Lfunc_end0:
.L_simem_size_0:
called_computation.1_lowered:
.L_overlay_start_0:
0x88: {  	s2 =	sld [smem:$0x3FD9]  }
0x89: {  	s3 =	sld [smem:$0x3FFE];
	_ =	sdelay $0x1  }
0x8a: {  	s1 =	srdreg.scid  }
0x8b: {  	s0 =	sand.u32 $0x1, s1  }
0x8c: {  	s17 =	sshll.u32 s0, $0xA;
	s2 =	sadd.s32 s3, s2  }
0x8d: {  	s2 =	sadd.s32 s2, s17  }
0x8e: {  	[smem:$0x3FC0] =	sst s2  }
0x8f: {  	_ = 	snop  }
0x90: {  	s2 =	sld [smem:$0x3FD0];
	(tm) =	ssettm $0x1  }
0x91: {  	s18 =	sld [smem:$0x3FFB];
	_ =	sdelay $0x3  }
0x92: {  	_ =	strace s18  }
0x93: {  	s3 =	sld [smem:$0x3FFC];
	_ =	sdelay $0x3  }
0x94: {  	_ =	strace s3  }
0x95: {  	s3 =	sld [smem:$0x3FFD];
	_ =	sdelay $0x3  }
0x96: {  	_ =	strace s3  }
0x97: {  	_ =	strace $0x8FFFFFFF  }
0x98: {  	s19 =	sld [smem:$0x3FDB];
	_ =	sdelay $0x1  }
0x99: {  	s4 =	simm.s32 $_scs_section_size  }
0x9a: {  	s5 =	simm.s32 $_size__tile_overlayer_lowered;
	s6 =	simm.s32 $_tile_overlayer_lowered  }
0x9b: {  	s22 =	simm.s32 $0x1BFF;
	s21 =	sshll.u32 s6, $0x1;
	s3 =	sadd.s32 s4, s19  }
0x9c: {  	s7 =	simm.s32 $0x0;
	s20 =	sshll.u32 s5, $0x1;
	s5 =	sadd.s32 s21, s3  }
0x9d: {  	[timem:s7], [sflag:s22] =	dma.local [hbm:s5], s20  }
0x9e: {  	_ =	swait.ge [sflag:s22], s20  }
0x9f: {  	s4 =	ssub.s32 $0x0, s20;
	[sflag:s22] =	ssyncset.done $0x0  }
0xa0: {  	[sflag:s22] =	ssyncadd.s32 s4;
	_ =	sdelay $0x1  }
0xa1: {  	s23 =	simm.s32 $0x1B8B  }
0xa2: {  	_ =	swait.ge [sflag:s23], $0x1  }
0xa3: {  	[sflag:s23] =	ssyncset.done $0x0  }
0xa4: {  	s25 =	simm.s32 $0x1B8E;
	s24 =	sld [smem:$0x3FFE];
	[sflag:s23] =	ssyncadd.s32 $0xFFFFFFFF  }
0xa5: {  	s26 =	simm.s32 $execute0_lowered;
	[smem:$0x3FD2] =	sst s25  }
0xa6: {  	s5 =	sshll.u32 s26, $0x1;
	_ =	strace $0x80000049;
	[dreg:$0x1] =	wrdreg $0xFFFFFFFF  }
0xa7: {  	s28 =	simm.s32 $_size_execute0_lowered;
	s3 =	sadd.s32 s3, s5;
	[dreg:$0x0] =	wrdreg $0x0  }
0xa8: {  	s5 =	sshll.u32 s28, $0x1;
	[dreg:$0x2] =	wrdreg s3  }
0xa9: {  	[dreg:$0x3] =	wrdreg s5  }
0xaa: {  	[dreg:$0x4] =	wrdreg $0xC0  }
0xab: {  	_ =	task [dreg:s7], $0x5FFFF  }
0xac: {  	[dreg:$0x1] =	wrdreg $0xFFFFFFFF  }
0xad: {  	[dreg:$0x0] =	wrdreg $0x60  }
0xae: {  	[dreg:$0x2] =	wrdreg s24  }
0xaf: {  	[dreg:$0x3] =	wrdreg s2  }
0xb0: {  	[dreg:$0x4] =	wrdreg $0x0  }
0xb1: {  	[dreg:$0x5] =	wrdreg $0x9  }
0xb2: {  	_ =	task.clear_ibuf [dreg:s7], $0x6FFFF;
	_ =	strace $0x90000049  }
0xb3: {  	s29 =	simm.s32 $0x9;
	_ =	strace $0x8000004B  }
0xb4: {  	_ =	swait.ge [sflag:s29], $0x1  }
0xb5: {  	[sflag:s29] =	ssyncadd.s32 $0xFFFFFFFF  }
0xb6: {  	_ =	strace $0x9000004B  }
0xb7: {  	_ =	sfence  }
0xb8: {  	s30 =	sld [smem:$0x0];
	_ =	sdelay $0x2  }
0xb9: {  	s31 =	sshll.u32 s1, $0xD;
	s1 =	sshrl.u32 s1, $0x2  }
0xba: {  	s3 =	sand.u32 $0x4000, s31;
	s1 =	sadd.s32 s1, s30  }
0xbb: {  	s0 =	sor.u32 s3, s0;
	s1 =	sshll.u32 s1, $0x11  }
0xbc: {  	s0 =	sor.u32 s1, s0  }
0xbd: {  	s0 =	sadd.s32 $0x8F2B, s0  }
0xbe: {  	[sflag:s0] =	ssyncadd.remote.s32 $0x1  }
0xbf: {  	_ =	sfence.sel $0xFFFF  }
0xc0: {  	[dreg:$0x0] =	wrdreg $0xFFFFFFFF;
	(pc) =	sbr.abs _section_cstart, $3  }
0xc1: {  	[dreg:$0x1] =	wrdreg $0xFFFFFFFF  }
0xc2: {  	_ =	task.clear_ibuf [dreg:s7], $0x2FFFF;
	_ =	strace $0x9FFFFFFF  }
0xc3: {  	(tm) =	ssettm $0x7FFFFFFF  }
tec
execute0_lowered:
.L_overlay_start_1:
0x0: {  	(tag) =	ssettag $0x1  }
0x1: {  	s0 =	rddreg [dreg:$0x0]  }
0x2: {  	s2 =	rddreg [dreg:$0x1]  }
0x3: {  	s1 =	rddreg [dreg:$0x2]  }
0x4: {  	s3 =	srdreg.scid;
	s6 =	simm.s32 $0x0;
	s9 =	stileid.u32  }
0x5: {  	s3 =	sand.u32 $0x1, s3;
	[smem:$0x7FF] =	sst s6;
	s11 =	smul.u32 $0x2800, s9  }
0x6: {  	s10 =	sadd.s32 $0x1A00, s0;
	s6 =	simm.s32 $0x16800;
	s5 =	smul.u32 $0x28000, s3  }
0x7: {  	s4 =	sshll.u32 s3, $0x4;
	_ =	strace $0x8000004A;
	s3 =	ssub.s32 $0x2, s3  }
0x8: {  	s7 =	sor.u32 s9, s4;
	s4 =	sadd.s32 $0xBA00, s0;
	s9 =	smul.u32 $0x50000, s9  }
0x9: {  	s12 =	sshrl.u32 s3, $0x1;
	s8 =	smul.u32 $0x500, s7;
	s5 =	sadd.s32 s11, s5  }
0xa: {  	s7 =	smul.u32 $0x2800, s7;
	s3 =	ssub.s32 s3, s12;
	s11 =	simm.s32 $0x1  }
0xb: {  	s12 =	simm.s32 $0x2;
	s0 =	sadd.s32 s5, s0;
	s14 =	sshrl.u32 s9, $0x2  }
0xc: {  	s19 =	smax.u32 s3, $0x1;
	s3 =	simm.s32 $0x15400;
	s5 =	simm.s32 $0x80  }
0xd: {  	s9 =	simm.s32 $0x1A800;
	s13 =	sadd.s32 s2, s8;
	s15 =	sshrl.u32 s7, $0x3  }
0xe: {  	s16 =	sadd.s32 s10, s8;
	s7 =	sadd.s32 s14, s1;
	[dreg:$0x9] =	wrdreg s19  }
0xf: {  	s0 =	sadd.s32 $0x5BA00, s0;
	s8 =	simm.s32 $0x14080;
	[dreg:$0x4] =	wrdreg s13  }
0x10: {  	s14 =	simm.s32 $0x16780;
	[dreg:$0x5] =	wrdreg s16;
	s17 =	sadd.s32 $0x280, s15  }
0x11: {  	[dreg:$0x8] =	wrdreg s0;
	s20 =	sadd.s32 $0x1000, s7;
	s21 =	sadd.s32 $0x2000, s7  }
0x12: {  	s22 =	sadd.s32 $0x3000, s7;
	s23 =	sadd.s32 $0x4000, s7;
	s24 =	sadd.s32 $0x5000, s7  }
0x13: {  	s25 =	sadd.s32 $0x6000, s7;
	s26 =	sadd.s32 $0x7000, s7;
	[dreg:$0xa] =	wrdreg s20  }
0x14: {  	s19 =	sadd.s32 $0x8000, s7;
	s28 =	sadd.s32 $0x10000, s7;
	[dreg:$0xb] =	wrdreg s21  }
0x15: {  	s29 =	sadd.s32 $0x11000, s7;
	s30 =	sadd.s32 $0x12000, s7;
	[dreg:$0xc] =	wrdreg s22  }
0x16: {  	s31 =	sadd.s32 $0x13000, s7;
	s0 =	simm.s32 $0x14000;
	[dreg:$0xd] =	wrdreg s23  }
0x17: {  	s13 =	simm.s32 $0x16700;
	s15 =	simm.s32 $0x0;
	[dreg:$0xe] =	wrdreg s24  }
0x18: {  	s2 =	sadd.s32 s2, s17;
	s18 =	sadd.s32 s10, s17;
	[dreg:$0xf] =	wrdreg s25  }
0x19: {  	[dreg:$0x10] =	wrdreg s26;
	s20 =	sadd.s32 $0x9000, s7;
	s21 =	sadd.s32 $0xA000, s7  }
0x1a: {  	s22 =	sadd.s32 $0xB000, s7;
	s23 =	sadd.s32 $0xC000, s7;
	s24 =	sadd.s32 $0xD000, s7  }
0x1b: {  	s25 =	sadd.s32 $0xE000, s7;
	s26 =	sadd.s32 $0xF000, s7;
	[dreg:$0x6] =	wrdreg s2  }
0x1c: {  	v0 =	vimm.f32 $0.0e+00;
	s10 =	simm.s32 $0x1E800;
	[dreg:$0x7] =	wrdreg s18;
	s2 =	simm.s32 $0x3  }
.LBB2_1:
0x1d: {  	s16 =	simm.s32 $0x0;
	s17 =	rddreg [dreg:$0x4]  }
0x1e: {  	[tilespmem:s0], [sflag:$0x3] =	stream.linear.gather [hbm4b:s17+s16], $0x1400, $0x38;
	[tilespmem:$0x1F800] =	vst v63  }
0x1f: {  	_ =	swait.ge [sflag:s2], $0x1400  }
0x20: {  	[sflag:s2] =	ssyncset.done $0x0  }
0x21: {  	s18 =	rddreg [dreg:$0x5];
	[sflag:s2] =	ssyncadd.s32 $0xFFFFEC00  }
0x22: {  	[tilespmem:s3], [sflag:$0x3] =	stream.linear.gather [hbm4b:s18+s16], $0x1400, $0x38;
	[tilespmem:$0x1F800] =	vst v63  }
0x23: {  	_ =	swait.ge [sflag:s2], $0x1400  }
0x24: {  	[sflag:s2] =	ssyncset.done $0x0  }
0x25: {  	[sflag:s2] =	ssyncadd.s32 $0xFFFFEC00  }
0x26: {  	[tilespmem:s6], [sflag:$0x1] =	stream.indirect.gather [hbm4b:s4+s5], $0x80, s0, s5, $0xb8;
	[tilespmem:$0x1F800] =	vst v63  }
0x27: {  	s17 =	simm.s32 $0x200;
	s16 =	simm.s32 $0x0  }
0x28: {  	[tilespmem:s9], [sflag:$0x2] =	stream.indirect.gather [hbm4b:s4+s5], $0x80, s8, s5, $0xb8;
	[tilespmem:$0x1F800] =	vst v63  }
.LBB2_2:
0x29: {  	p0 =	sne.s32 s17, $0x3E00;
	[tilespmem:s16+$0x1E870] =	vst v0  }
0x2a: {  	[tilespmem:s16+$0x1E800] =	vst v0  }
0x2b: {  	[tilespmem:s16+$0x1E810] =	vst v0  }
.Ltmp0:
0x2c: {  	[tilespmem:s16+$0x1E820] =	vst v0;
	(pc) =	sbr.rel @p0 .LBB2_2-.Ltmp0, $4  }
0x2d: {  	[tilespmem:s16+$0x1E830] =	vst v0  }
0x2e: {  	[tilespmem:s16+$0x1E840] =	vst v0  }
0x2f: {  	[tilespmem:s16+$0x1E850] =	vst v0  }
0x30: {  	[tilespmem:s16+$0x1E860] =	vst v0;
	s16 =	sshra.s32 s17, $0x2;
	s17 =	sadd.s32 $0x200, s17  }
0x31: {  	[tilespmem:s16+$0x1E870] =	vst v0  }
0x32: {  	[tilespmem:s16+$0x1E800] =	vst v0  }
0x33: {  	[tilespmem:s16+$0x1E810] =	vst v0  }
0x34: {  	[tilespmem:s16+$0x1E820] =	vst v0  }
0x35: {  	[tilespmem:s16+$0x1E830] =	vst v0  }
0x36: {  	[tilespmem:s16+$0x1E840] =	vst v0  }
0x37: {  	[tilespmem:s16+$0x1E850] =	vst v0  }
0x38: {  	[tilespmem:s16+$0x1E860] =	vst v0  }
0x39: {  	[spmem:s7] =	stream.linear.scatter [tilespmem:s10], [sflag:$0x3], $0x1000, $0x38;
	[tilespmem:$0x1F800] =	vst v63  }
0x3a: {  	_ =	swait.ge [sflag:s2], $0x1000  }
0x3b: {  	[sflag:s2] =	ssyncset.done $0x0  }
0x3c: {  	s17 =	rddreg [dreg:$0xa];
	[sflag:s2] =	ssyncadd.s32 $0xFFFFF000  }
0x3d: {  	[spmem:s17] =	stream.linear.scatter [tilespmem:s10], [sflag:$0x3], $0x1000, $0x38;
	[tilespmem:$0x1F800] =	vst v63  }
0x3e: {  	_ =	swait.ge [sflag:s2], $0x1000  }
0x3f: {  	[sflag:s2] =	ssyncset.done $0x0  }
0x40: {  	s18 =	rddreg [dreg:$0xb];
	[sflag:s2] =	ssyncadd.s32 $0xFFFFF000  }
0x41: {  	[spmem:s18] =	stream.linear.scatter [tilespmem:s10], [sflag:$0x3], $0x1000, $0x38;
	[tilespmem:$0x1F800] =	vst v63  }
0x42: {  	_ =	swait.ge [sflag:s2], $0x1000  }
0x43: {  	[sflag:s2] =	ssyncset.done $0x0  }
0x44: {  	s17 =	rddreg [dreg:$0xc];
	[sflag:s2] =	ssyncadd.s32 $0xFFFFF000  }
0x45: {  	[spmem:s17] =	stream.linear.scatter [tilespmem:s10], [sflag:$0x3], $0x1000, $0x38;
	[tilespmem:$0x1F800] =	vst v63  }
0x46: {  	_ =	swait.ge [sflag:s2], $0x1000  }
0x47: {  	[sflag:s2] =	ssyncset.done $0x0  }
0x48: {  	s18 =	rddreg [dreg:$0xd];
	[sflag:s2] =	ssyncadd.s32 $0xFFFFF000  }
0x49: {  	[spmem:s18] =	stream.linear.scatter [tilespmem:s10], [sflag:$0x3], $0x1000, $0x38;
	[tilespmem:$0x1F800] =	vst v63  }
0x4a: {  	_ =	swait.ge [sflag:s2], $0x1000  }
0x4b: {  	[sflag:s2] =	ssyncset.done $0x0  }
0x4c: {  	s17 =	rddreg [dreg:$0xe];
	[sflag:s2] =	ssyncadd.s32 $0xFFFFF000  }
0x4d: {  	[spmem:s17] =	stream.linear.scatter [tilespmem:s10], [sflag:$0x3], $0x1000, $0x38;
	[tilespmem:$0x1F800] =	vst v63  }
0x4e: {  	_ =	swait.ge [sflag:s2], $0x1000  }
0x4f: {  	[sflag:s2] =	ssyncset.done $0x0  }
0x50: {  	s18 =	rddreg [dreg:$0xf];
	[sflag:s2] =	ssyncadd.s32 $0xFFFFF000  }
0x51: {  	[spmem:s18] =	stream.linear.scatter [tilespmem:s10], [sflag:$0x3], $0x1000, $0x38;
	[tilespmem:$0x1F800] =	vst v63  }
0x52: {  	_ =	swait.ge [sflag:s2], $0x1000  }
0x53: {  	[sflag:s2] =	ssyncset.done $0x0  }
0x54: {  	s17 =	rddreg [dreg:$0x10];
	[sflag:s2] =	ssyncadd.s32 $0xFFFFF000  }
0x55: {  	[spmem:s17] =	stream.linear.scatter [tilespmem:s10], [sflag:$0x3], $0x1000, $0x38;
	[tilespmem:$0x1F800] =	vst v63  }
0x56: {  	_ =	swait.ge [sflag:s2], $0x1000  }
0x57: {  	[sflag:s2] =	ssyncset.done $0x0  }
0x58: {  	[sflag:s2] =	ssyncadd.s32 $0xFFFFF000  }
0x59: {  	[spmem:s19] =	stream.linear.scatter [tilespmem:s10], [sflag:$0x3], $0x1000, $0x38;
	[tilespmem:$0x1F800] =	vst v63  }
0x5a: {  	_ =	swait.ge [sflag:s2], $0x1000  }
0x5b: {  	[sflag:s2] =	ssyncset.done $0x0  }
0x5c: {  	[sflag:s2] =	ssyncadd.s32 $0xFFFFF000  }
0x5d: {  	[spmem:s20] =	stream.linear.scatter [tilespmem:s10], [sflag:$0x3], $0x1000, $0x38;
	[tilespmem:$0x1F800] =	vst v63  }
0x5e: {  	_ =	swait.ge [sflag:s2], $0x1000  }
0x5f: {  	[sflag:s2] =	ssyncset.done $0x0  }
0x60: {  	[sflag:s2] =	ssyncadd.s32 $0xFFFFF000  }
0x61: {  	[spmem:s21] =	stream.linear.scatter [tilespmem:s10], [sflag:$0x3], $0x1000, $0x38;
	[tilespmem:$0x1F800] =	vst v63  }
0x62: {  	_ =	swait.ge [sflag:s2], $0x1000  }
0x63: {  	[sflag:s2] =	ssyncset.done $0x0  }
0x64: {  	[sflag:s2] =	ssyncadd.s32 $0xFFFFF000  }
0x65: {  	[spmem:s22] =	stream.linear.scatter [tilespmem:s10], [sflag:$0x3], $0x1000, $0x38;
	[tilespmem:$0x1F800] =	vst v63  }
0x66: {  	_ =	swait.ge [sflag:s2], $0x1000  }
0x67: {  	[sflag:s2] =	ssyncset.done $0x0  }
0x68: {  	[sflag:s2] =	ssyncadd.s32 $0xFFFFF000  }
0x69: {  	[spmem:s23] =	stream.linear.scatter [tilespmem:s10], [sflag:$0x3], $0x1000, $0x38;
	[tilespmem:$0x1F800] =	vst v63  }
0x6a: {  	_ =	swait.ge [sflag:s2], $0x1000  }
0x6b: {  	[sflag:s2] =	ssyncset.done $0x0  }
0x6c: {  	[sflag:s2] =	ssyncadd.s32 $0xFFFFF000  }
0x6d: {  	[spmem:s24] =	stream.linear.scatter [tilespmem:s10], [sflag:$0x3], $0x1000, $0x38;
	[tilespmem:$0x1F800] =	vst v63  }
0x6e: {  	_ =	swait.ge [sflag:s2], $0x1000  }
0x6f: {  	[sflag:s2] =	ssyncset.done $0x0  }
0x70: {  	[sflag:s2] =	ssyncadd.s32 $0xFFFFF000  }
0x71: {  	[spmem:s25] =	stream.linear.scatter [tilespmem:s10], [sflag:$0x3], $0x1000, $0x38;
	[tilespmem:$0x1F800] =	vst v63  }
0x72: {  	_ =	swait.ge [sflag:s2], $0x1000  }
0x73: {  	[sflag:s2] =	ssyncset.done $0x0  }
0x74: {  	[sflag:s2] =	ssyncadd.s32 $0xFFFFF000  }
0x75: {  	[spmem:s26] =	stream.linear.scatter [tilespmem:s10], [sflag:$0x3], $0x1000, $0x38;
	[tilespmem:$0x1F800] =	vst v63  }
0x76: {  	_ =	swait.ge [sflag:s2], $0x1000  }
0x77: {  	[sflag:s2] =	ssyncset.done $0x0  }
0x78: {  	[sflag:s2] =	ssyncadd.s32 $0xFFFFF000  }
0x79: {  	[spmem:s28] =	stream.linear.scatter [tilespmem:s10], [sflag:$0x3], $0x1000, $0x38;
	[tilespmem:$0x1F800] =	vst v63  }
0x7a: {  	_ =	swait.ge [sflag:s2], $0x1000  }
0x7b: {  	[sflag:s2] =	ssyncset.done $0x0  }
0x7c: {  	[sflag:s2] =	ssyncadd.s32 $0xFFFFF000  }
0x7d: {  	[spmem:s29] =	stream.linear.scatter [tilespmem:s10], [sflag:$0x3], $0x1000, $0x38;
	[tilespmem:$0x1F800] =	vst v63  }
0x7e: {  	_ =	swait.ge [sflag:s2], $0x1000  }
0x7f: {  	[sflag:s2] =	ssyncset.done $0x0  }
0x80: {  	[sflag:s2] =	ssyncadd.s32 $0xFFFFF000  }
0x81: {  	[spmem:s30] =	stream.linear.scatter [tilespmem:s10], [sflag:$0x3], $0x1000, $0x38;
	[tilespmem:$0x1F800] =	vst v63  }
0x82: {  	_ =	swait.ge [sflag:s2], $0x1000  }
0x83: {  	[sflag:s2] =	ssyncset.done $0x0  }
0x84: {  	[sflag:s2] =	ssyncadd.s32 $0xFFFFF000  }
0x85: {  	[spmem:s31] =	stream.linear.scatter [tilespmem:s10], [sflag:$0x3], $0x1000, $0x38;
	[tilespmem:$0x1F800] =	vst v63  }
0x86: {  	_ =	swait.ge [sflag:s2], $0x1000  }
0x87: {  	[sflag:s2] =	ssyncset.done $0x0  }
0x88: {  	[sflag:s2] =	ssyncadd.s32 $0xFFFFF000  }
0x89: {  	[bflag:$0x0] =	sbarrier.arrive $0xFFFF  }
0x8a: {  	_ =	swait.ge [sflag:s11], $0x4000  }
0x8b: {  	[sflag:s11] =	ssyncset.done $0x0  }
0x8c: {  	s18 =	simm.s32 $0x15400;
	[sflag:s11] =	ssyncadd.s32 $0xFFFFC000  }
0x8d: {  	[spmem:s1] =	stream.indirect.scatter.add.f32 [tilespmem:s6], [sflag:$0x3], $0x80, s18, s5, $0xb8;
	[tilespmem:$0x1F800] =	vst v63  }
0x8e: {  	_ =	swait.ge [sflag:s2], $0x4000  }
0x8f: {  	[sflag:s2] =	ssyncset.done $0x0  }
0x90: {  	s17 =	simm.s32 $0x14100;
	[sflag:s2] =	ssyncadd.s32 $0xFFFFC000  }
0x91: {  	[tilespmem:s6], [sflag:$0x1] =	stream.indirect.gather [hbm4b:s4+s5], $0x80, s17, s5, $0xb8;
	[tilespmem:$0x1F800] =	vst v63  }
0x92: {  	_ =	swait.ge [sflag:s12], $0x4000  }
0x93: {  	[sflag:s12] =	ssyncset.done $0x0  }
0x94: {  	s18 =	simm.s32 $0x15480;
	[sflag:s12] =	ssyncadd.s32 $0xFFFFC000  }
0x95: {  	[spmem:s1] =	stream.indirect.scatter.add.f32 [tilespmem:s9], [sflag:$0x3], $0x80, s18, s5, $0xb8;
	[tilespmem:$0x1F800] =	vst v63  }
0x96: {  	_ =	swait.ge [sflag:s2], $0x4000  }
0x97: {  	[sflag:s2] =	ssyncset.done $0x0  }
0x98: {  	s16 =	simm.s32 $0x400;
	s17 =	simm.s32 $0x14180;
	[sflag:s2] =	ssyncadd.s32 $0xFFFFC000  }
.LBB2_4:
0x99: {  	[tilespmem:s9], [sflag:$0x2] =	stream.indirect.gather [hbm4b:s4+s5], $0x80, s17, s5, $0xb8;
	[tilespmem:$0x1F800] =	vst v63  }
0x9a: {  	s17 =	smov.u32 s16  }
0x9b: {  	p0 =	sne.s32 s16, $0x4800;
	s16 =	sadd.s32 $0x400, s16;
	_ =	swait.ge [sflag:s11], $0x4000  }
0x9c: {  	s17 =	sshra.s32 s17, $0x2;
	[sflag:s11] =	ssyncset.done $0x0  }
0x9d: {  	s18 =	sadd.s32 $0x15400, s17;
	[sflag:s11] =	ssyncadd.s32 $0xFFFFC000  }
0x9e: {  	[spmem:s1] =	stream.indirect.scatter.add.f32 [tilespmem:s6], [sflag:$0x3], $0x80, s18, s5, $0xb8;
	[tilespmem:$0x1F800] =	vst v63  }
0x9f: {  	_ =	swait.ge [sflag:s2], $0x4000  }
0xa0: {  	[sflag:s2] =	ssyncset.done $0x0  }
0xa1: {  	s18 =	sadd.s32 $0x14100, s17;
	[sflag:s2] =	ssyncadd.s32 $0xFFFFC000  }
0xa2: {  	[tilespmem:s6], [sflag:$0x1] =	stream.indirect.gather [hbm4b:s4+s5], $0x80, s18, s5, $0xb8;
	[tilespmem:$0x1F800] =	vst v63  }
0xa3: {  	_ =	swait.ge [sflag:s12], $0x4000  }
0xa4: {  	[sflag:s12] =	ssyncset.done $0x0  }
.Ltmp1:
0xa5: {  	s18 =	sadd.s32 $0x15480, s17;
	[sflag:s12] =	ssyncadd.s32 $0xFFFFC000;
	(pc) =	sbr.rel @p0 .LBB2_4-.Ltmp1, $4  }
0xa6: {  	[spmem:s1] =	stream.indirect.scatter.add.f32 [tilespmem:s9], [sflag:$0x3], $0x80, s18, s5, $0xb8;
	[tilespmem:$0x1F800] =	vst v63  }
0xa7: {  	_ =	swait.ge [sflag:s2], $0x4000  }
0xa8: {  	[sflag:s2] =	ssyncset.done $0x0  }
0xa9: {  	s17 =	sadd.s32 $0x14180, s17;
	[sflag:s2] =	ssyncadd.s32 $0xFFFFC000  }
0xaa: {  	[tilespmem:s9], [sflag:$0x2] =	stream.indirect.gather [hbm4b:s4+s5], $0x80, s17, s5, $0xb8;
	[tilespmem:$0x1F800] =	vst v63  }
0xab: {  	_ =	swait.ge [sflag:s11], $0x4000  }
0xac: {  	[sflag:s11] =	ssyncset.done $0x0  }
0xad: {  	[sflag:s11] =	ssyncadd.s32 $0xFFFFC000  }
0xae: {  	[spmem:s1] =	stream.indirect.scatter.add.f32 [tilespmem:s6], [sflag:$0x3], $0x80, s13, s5, $0xb8;
	[tilespmem:$0x1F800] =	vst v63  }
0xaf: {  	_ =	swait.ge [sflag:s2], $0x4000  }
0xb0: {  	[sflag:s2] =	ssyncset.done $0x0  }
0xb1: {  	[sflag:s2] =	ssyncadd.s32 $0xFFFFC000  }
0xb2: {  	_ =	swait.ge [sflag:s12], $0x4000  }
0xb3: {  	[sflag:s12] =	ssyncset.done $0x0  }
0xb4: {  	[sflag:s12] =	ssyncadd.s32 $0xFFFFC000  }
0xb5: {  	[spmem:s1] =	stream.indirect.scatter.add.f32 [tilespmem:s9], [sflag:$0x3], $0x80, s14, s5, $0xb8;
	[tilespmem:$0x1F800] =	vst v63  }
0xb6: {  	_ =	swait.ge [sflag:s2], $0x4000  }
0xb7: {  	[sflag:s2] =	ssyncset.done $0x0  }
0xb8: {  	s16 =	simm.s32 $0x0;
	s18 =	rddreg [dreg:$0x6];
	[sflag:s2] =	ssyncadd.s32 $0xFFFFC000  }
0xb9: {  	[tilespmem:s0], [sflag:$0x3] =	stream.linear.gather [hbm4b:s18+s16], $0x1400, $0x38;
	[tilespmem:$0x1F800] =	vst v63  }
0xba: {  	_ =	swait.ge [sflag:s2], $0x1400  }
0xbb: {  	[sflag:s2] =	ssyncset.done $0x0  }
0xbc: {  	s18 =	rddreg [dreg:$0x7];
	[sflag:s2] =	ssyncadd.s32 $0xFFFFEC00  }
0xbd: {  	[tilespmem:s3], [sflag:$0x3] =	stream.linear.gather [hbm4b:s18+s16], $0x1400, $0x38;
	[tilespmem:$0x1F800] =	vst v63  }
0xbe: {  	_ =	swait.ge [sflag:s2], $0x1400  }
0xbf: {  	[sflag:s2] =	ssyncset.done $0x0  }
0xc0: {  	[sflag:s2] =	ssyncadd.s32 $0xFFFFEC00  }
0xc1: {  	[tilespmem:s6], [sflag:$0x1] =	stream.indirect.gather [hbm4b:s4+s5], $0x80, s0, s5, $0xb8;
	[tilespmem:$0x1F800] =	vst v63  }
0xc2: {  	_ = 	snop  }
0xc3: {  	[tilespmem:s9], [sflag:$0x2] =	stream.indirect.gather [hbm4b:s4+s5], $0x80, s8, s5, $0xb8;
	[tilespmem:$0x1F800] =	vst v63  }
0xc4: {  	_ =	swait.ge [sflag:s11], $0x4000  }
0xc5: {  	[sflag:s11] =	ssyncset.done $0x0  }
0xc6: {  	s18 =	simm.s32 $0x15400;
	[sflag:s11] =	ssyncadd.s32 $0xFFFFC000  }
0xc7: {  	[spmem:s1] =	stream.indirect.scatter.add.f32 [tilespmem:s6], [sflag:$0x3], $0x80, s18, s5, $0xb8;
	[tilespmem:$0x1F800] =	vst v63  }
0xc8: {  	_ =	swait.ge [sflag:s2], $0x4000  }
0xc9: {  	[sflag:s2] =	ssyncset.done $0x0  }
0xca: {  	s17 =	simm.s32 $0x14100;
	[sflag:s2] =	ssyncadd.s32 $0xFFFFC000  }
0xcb: {  	[tilespmem:s6], [sflag:$0x1] =	stream.indirect.gather [hbm4b:s4+s5], $0x80, s17, s5, $0xb8;
	[tilespmem:$0x1F800] =	vst v63  }
0xcc: {  	_ =	swait.ge [sflag:s12], $0x4000  }
0xcd: {  	[sflag:s12] =	ssyncset.done $0x0  }
0xce: {  	s18 =	simm.s32 $0x15480;
	[sflag:s12] =	ssyncadd.s32 $0xFFFFC000  }
0xcf: {  	[spmem:s1] =	stream.indirect.scatter.add.f32 [tilespmem:s9], [sflag:$0x3], $0x80, s18, s5, $0xb8;
	[tilespmem:$0x1F800] =	vst v63  }
0xd0: {  	_ =	swait.ge [sflag:s2], $0x4000  }
0xd1: {  	[sflag:s2] =	ssyncset.done $0x0  }
0xd2: {  	s16 =	simm.s32 $0x400;
	s17 =	simm.s32 $0x14180;
	[sflag:s2] =	ssyncadd.s32 $0xFFFFC000  }
.LBB2_6:
0xd3: {  	[tilespmem:s9], [sflag:$0x2] =	stream.indirect.gather [hbm4b:s4+s5], $0x80, s17, s5, $0xb8;
	[tilespmem:$0x1F800] =	vst v63  }
0xd4: {  	s17 =	smov.u32 s16  }
0xd5: {  	p0 =	sne.s32 s16, $0x4800;
	s16 =	sadd.s32 $0x400, s16;
	_ =	swait.ge [sflag:s11], $0x4000  }
0xd6: {  	s17 =	sshra.s32 s17, $0x2;
	[sflag:s11] =	ssyncset.done $0x0  }
0xd7: {  	s18 =	sadd.s32 $0x15400, s17;
	[sflag:s11] =	ssyncadd.s32 $0xFFFFC000  }
0xd8: {  	[spmem:s1] =	stream.indirect.scatter.add.f32 [tilespmem:s6], [sflag:$0x3], $0x80, s18, s5, $0xb8;
	[tilespmem:$0x1F800] =	vst v63  }
0xd9: {  	_ =	swait.ge [sflag:s2], $0x4000  }
0xda: {  	[sflag:s2] =	ssyncset.done $0x0  }
0xdb: {  	s18 =	sadd.s32 $0x14100, s17;
	[sflag:s2] =	ssyncadd.s32 $0xFFFFC000  }
0xdc: {  	[tilespmem:s6], [sflag:$0x1] =	stream.indirect.gather [hbm4b:s4+s5], $0x80, s18, s5, $0xb8;
	[tilespmem:$0x1F800] =	vst v63  }
0xdd: {  	_ =	swait.ge [sflag:s12], $0x4000  }
0xde: {  	[sflag:s12] =	ssyncset.done $0x0  }
.Ltmp2:
0xdf: {  	s18 =	sadd.s32 $0x15480, s17;
	[sflag:s12] =	ssyncadd.s32 $0xFFFFC000;
	(pc) =	sbr.rel @p0 .LBB2_6-.Ltmp2, $4  }
0xe0: {  	[spmem:s1] =	stream.indirect.scatter.add.f32 [tilespmem:s9], [sflag:$0x3], $0x80, s18, s5, $0xb8;
	[tilespmem:$0x1F800] =	vst v63  }
0xe1: {  	_ =	swait.ge [sflag:s2], $0x4000  }
0xe2: {  	[sflag:s2] =	ssyncset.done $0x0  }
0xe3: {  	s17 =	sadd.s32 $0x14180, s17;
	[sflag:s2] =	ssyncadd.s32 $0xFFFFC000  }
0xe4: {  	[tilespmem:s9], [sflag:$0x2] =	stream.indirect.gather [hbm4b:s4+s5], $0x80, s17, s5, $0xb8;
	[tilespmem:$0x1F800] =	vst v63  }
0xe5: {  	_ =	swait.ge [sflag:s11], $0x4000  }
0xe6: {  	[sflag:s11] =	ssyncset.done $0x0  }
0xe7: {  	[sflag:s11] =	ssyncadd.s32 $0xFFFFC000  }
0xe8: {  	[spmem:s1] =	stream.indirect.scatter.add.f32 [tilespmem:s6], [sflag:$0x3], $0x80, s13, s5, $0xb8;
	[tilespmem:$0x1F800] =	vst v63  }
0xe9: {  	_ =	swait.ge [sflag:s2], $0x4000  }
0xea: {  	[sflag:s2] =	ssyncset.done $0x0  }
0xeb: {  	[sflag:s2] =	ssyncadd.s32 $0xFFFFC000  }
0xec: {  	_ =	swait.ge [sflag:s12], $0x4000  }
0xed: {  	[sflag:s12] =	ssyncset.done $0x0  }
0xee: {  	[sflag:s12] =	ssyncadd.s32 $0xFFFFC000  }
0xef: {  	[spmem:s1] =	stream.indirect.scatter.add.f32 [tilespmem:s9], [sflag:$0x3], $0x80, s14, s5, $0xb8;
	[tilespmem:$0x1F800] =	vst v63  }
0xf0: {  	_ =	swait.ge [sflag:s2], $0x4000  }
0xf1: {  	[sflag:s2] =	ssyncset.done $0x0  }
0xf2: {  	s16 =	stileid.u32;
	[sflag:s2] =	ssyncadd.s32 $0xFFFFC000  }
0xf3: {  	s16 =	sshll.u32 s16, $0x6;
	[bflag:$0x0] =	sbarrier.arrive $0xFFFF  }
0xf4: {  	s17 =	sshrl.u32 s7, $0x3;
	s16 =	sor.u32 $0x1C03, s16;
	s18 =	rddreg [dreg:$0x8]  }
0xf5: {  	[hbm:s18], [sflag:s16] =	dma.local [spmem:s17], $0x2800  }
0xf6: {  	_ =	swait.ge [sflag:s2], $0x2800  }
0xf7: {  	s15 =	sadd.s32 $0x1, s15;
	s18 =	rddreg [dreg:$0x9]  }
0xf8: {  	p0 =	sne.s32 s15, s18  }
.Ltmp3:
0xf9: {  	_ = 	snop;
	(pc) =	sbr.rel @p0 .LBB2_1-.Ltmp3, $3  }
0xfa: {  	_ =	sdelay $0x1  }
0xfb: {  	[sflag:s2] =	ssyncset.done $0x0  }
0xfc: {  	[sflag:s2] =	ssyncadd.s32 $0xFFFFD800  }
0xfd: {  	_ =	sfence.sel $0x180000  }
0xfe: {  	[bflag:$0x0] =	sbarrier.arrive $0xFFFF  }
0xff: {  	_ =	strace $0x9000004A  }
0x100: {  	s0 =	stileid.u32;
	[bflag:$0x2] =	sbarrier.arrive $0xFFFF  }
0x101: {  	p0 =	sne.s32 s0, $0x0;
	s0 =	rddreg [dreg:$0x3]  }
0x102: {  	s0 =	sadd.s32 @!p0 $0x100000, s0  }
0x103: {  	[sflag:s0] =	ssyncadd.tile.s32 @!p0 $0x1;
	_ =	shalt  }
.Lfunc_end2:
_tile_overlayer_lowered:
.L_overlay_start_2:
0x104: {  	(tag) =	ssettag $0x2  }
0x105: {  	s0 =	rddreg [dreg:$0x0];
	s2 =	stileid.u32  }
0x106: {  	s1 =	rddreg [dreg:$0x1];
	p0 =	sne.s32 s2, $0x0  }
0x107: {  	s3 =	rddreg [dreg:$0x2];
	[bflag:$0x3] =	sbarrier.arrive $0xFFFF;
	s2 =	simm.s32 @!p0 $0x1C03  }
0x108: {  	[timem:s3], [sflag:s2] =	dma.local @!p0 [hbm:s0], s1  }
0x109: {  	s0 =	simm.s32 @!p0 $0x3  }
0x10a: {  	_ =	swait.ge @!p0 [sflag:s0], s1  }
0x10b: {  	s1 =	ssub.s32 @!p0 $0x0, s1;
	[sflag:s0] =	ssyncset.done @!p0 $0x0  }
0x10c: {  	[sflag:s0] =	ssyncadd.s32 @!p0 s1  }
0x10d: {  	[bflag:$0x3] =	sbarrier.arrive $0xFFFF  }
0x10e: {  	_ =	shalt  }

// kernel: kernel.14.cloned.1.call-start
scs
__scs_entry_jumppad:
0x0: {  	(pc) =	sbr.rel $0x88, $3  }
0x1: {  	(tag) =	ssettag $0x0;
	lr =	simm.s32 $0x1  }
0x2: {  	[smem:$0x3F99] =	sst lr;
	_ =	strace $0xD0000000  }
0x3: {  	_ = 	snop  }
0x4: {  	_ = 	snop  }
0x5: {  	_ = 	snop  }
0x6: {  	_ = 	snop  }
0x7: {  	_ = 	snop  }
__scs_overlays_trampoline_lowered:
0x8: {  	[smem:$0x3FA8] =	sst s0  }
0x9: {  	[smem:$0x3FA9] =	sst s1  }
0xa: {  	[smem:$0x3FAA] =	sst s2  }
0xb: {  	[smem:$0x3FAB] =	sst s3  }
0xc: {  	[smem:$0x3FAC] =	sst s4  }
0xd: {  	[smem:$0x3FAD] =	sst s5  }
0xe: {  	[smem:$0x3FAE] =	sst s6  }
0xf: {  	[smem:$0x3FAF] =	sst s7  }
0x10: {  	[smem:$0x3FB0] =	sst s8  }
0x11: {  	[smem:$0x3FB1] =	sst s9;
	s0 =	simm.s32 @!p0 $0x0  }
0x12: {  	s1 =	sld [smem:$0x3F97];
	s0 =	simm.s32 @p0 $0x1  }
0x13: {  	[smem:$0x3FB2] =	sst s0;
	s0 =	simm.s32 @!p1 $0x0  }
0x14: {  	s2 =	sld [smem:$0x3F96];
	s0 =	simm.s32 @p1 $0x1  }
0x15: {  	[smem:$0x3FB3] =	sst s0;
	s0 =	simm.s32 @!p2 $0x0  }
0x16: {  	s3 =	sld [smem:$0x3FDB];
	s0 =	simm.s32 @p2 $0x1  }
0x17: {  	s4 =	simm.s32 $0x1BF5;
	[smem:$0x3FB5] =	sst s0  }
0x18: {  	s0 =	sld [smem:$0x3F98];
	_ =	swait.ge [sflag:s4], $0x0  }
0x19: {  	s7 =	sld [smem:$0x3F99]  }
0x1a: {  	s8 =	sadd.s32 $0xFFFFE003, lr  }
0x1b: {  	s9 =	sadd.s32 $0xFFFFFEF7, lr;
	s5 =	simm.s32 $0xFFFFFFFF;
	p2 =	slt.u32 s8, $0xFFFFF086  }
0x1c: {  	p1 =	slt.u32 s9, $0xF7A;
	s5 =	simm.s32 @!p2 $0x0  }
0x1d: {  	s5 =	simm.s32 @p1 $0x1;
	p0 =	seq.s32 s7, s2  }
0x1e: {  	s7 =	smul.u32 @!p0 $0xF7A, s2;
	p2 =	seq.s32 @!p0 s5, $0x0  }
0x1f: {  	s9 =	smul.u32 $0xF7A, s1;
	s8 =	simm.s32 @!p0 $0x1BF5;
	p2 =	por !p2, p0  }
0x20: {  	[sflag:s8] =	ssyncset.s32 @!p0 $0xFFFFF086;
	s6 =	sadd.s32 @!p0 s3, s7;
	s7 =	simm.s32 @!p0 $0x108  }
0x21: {  	s3 =	sadd.s32 s3, s9;
	s6 =	sadd.s32 @!p0 $0x88, s6;
	s7 =	simm.s32 @p2 $0x1082  }
0x22: {  	[simem:s7], [sflag:s8] =	dma.local @!p0 [hbm:s6], $0xF7A  }
0x23: {  	s9 =	sor.u32 $0xD0000000, s2;
	s6 =	simm.s32 $0x108;
	_ =	swait.ge @!p0 [sflag:s8], $0x0  }
0x24: {  	s3 =	sadd.s32 $0x88, s3;
	s6 =	simm.s32 @!p1 $0x1082;
	[sflag:s4] =	ssyncset.s32 $0xFFFFF086  }
0x25: {  	[simem:s6], [sflag:s4] =	dma.local [hbm:s3], $0xF7A  }
0x26: {  	[smem:$0x3F99] =	sst s1;
	(tag) =	ssettag s2;
	_ =	strace s9  }
0x27: {  	s1 =	sld [smem:$0x3FA9]  }
0x28: {  	s2 =	sld [smem:$0x3FAA]  }
0x29: {  	s4 =	sld [smem:$0x3FAC]  }
0x2a: {  	p0 =	seq.s32 s5, $0x0;
	s5 =	sld [smem:$0x3FAD]  }
0x2b: {  	s6 =	sld [smem:$0x3FAE]  }
0x2c: {  	s7 =	sld [smem:$0x3FAF]  }
0x2d: {  	s3 =	simm.s32 $0x108;
	s8 =	sld [smem:$0x3FB0]  }
0x2e: {  	s3 =	simm.s32 @!p0 $0x1082;
	s9 =	sld [smem:$0x3FB1]  }
0x2f: {  	lr =	sadd.s32 s0, s3;
	s0 =	sld [smem:$0x3FA8]  }
0x30: {  	s3 =	sld [smem:$0x3FAB]  }
0x31: {  	[smem:$0x3FB4] =	sst s10  }
0x32: {  	s10 =	sld [smem:$0x3FB2];
	_ =	sdelay $0x3  }
0x33: {  	p0 =	seq.s32 s10, $0x1;
	s10 =	sld [smem:$0x3FB4];
	_ =	sdelay $0x3  }
0x34: {  	[smem:$0x3FB4] =	sst s10  }
0x35: {  	s10 =	sld [smem:$0x3FB3];
	_ =	sdelay $0x3  }
0x36: {  	p1 =	seq.s32 s10, $0x1;
	s10 =	sld [smem:$0x3FB4];
	_ =	sdelay $0x3  }
0x37: {  	[smem:$0x3FB4] =	sst s10  }
0x38: {  	s10 =	sld [smem:$0x3FB5]  }
0x39: {  	_ = 	snop;
	(pc) =	sbr.ind lr, $3  }
0x3a: {  	_ = 	snop  }
0x3b: {  	_ = 	snop  }
0x3c: {  	p2 =	seq.s32 s10, $0x1;
	s10 =	sld [smem:$0x3FB4]  }
0x3d: {  	_ =	shalt  }
0x3e: {  	_ =	shalt  }
0x3f: {  	_ =	shalt  }
0x40: {  	_ =	shalt  }
0x41: {  	_ =	shalt  }
0x42: {  	_ =	shalt  }
0x43: {  	_ =	shalt  }
0x44: {  	_ =	shalt  }
0x45: {  	_ =	shalt  }
0x46: {  	_ =	shalt  }
0x47: {  	_ =	shalt  }
0x48: {  	_ =	shalt  }
0x49: {  	_ =	shalt  }
0x4a: {  	_ =	shalt  }
0x4b: {  	_ =	shalt  }
0x4c: {  	_ =	shalt  }
0x4d: {  	_ =	shalt  }
0x4e: {  	_ =	shalt  }
0x4f: {  	_ =	shalt  }
0x50: {  	_ =	shalt  }
0x51: {  	_ =	shalt  }
0x52: {  	_ =	shalt  }
0x53: {  	_ =	shalt  }
0x54: {  	_ =	shalt  }
0x55: {  	_ =	shalt  }
0x56: {  	_ =	shalt  }
0x57: {  	_ =	shalt  }
0x58: {  	_ =	shalt  }
0x59: {  	_ =	shalt  }
0x5a: {  	_ =	shalt  }
0x5b: {  	_ =	shalt  }
0x5c: {  	_ =	shalt  }
0x5d: {  	_ =	shalt  }
0x5e: {  	_ =	shalt  }
0x5f: {  	_ =	shalt  }
0x60: {  	_ =	shalt  }
0x61: {  	_ =	shalt  }
0x62: {  	_ =	shalt  }
0x63: {  	_ =	shalt  }
0x64: {  	_ =	shalt  }
0x65: {  	_ =	shalt  }
0x66: {  	_ =	shalt  }
0x67: {  	_ =	shalt  }
0x68: {  	_ =	shalt  }
0x69: {  	_ =	shalt  }
0x6a: {  	_ =	shalt  }
0x6b: {  	_ =	shalt  }
0x6c: {  	_ =	shalt  }
0x6d: {  	_ =	shalt  }
0x6e: {  	_ =	shalt  }
0x6f: {  	_ =	shalt  }
0x70: {  	_ =	shalt  }
0x71: {  	_ =	shalt  }
0x72: {  	_ =	shalt  }
0x73: {  	_ =	shalt  }
0x74: {  	_ =	shalt  }
0x75: {  	_ =	shalt  }
0x76: {  	_ =	shalt  }
0x77: {  	_ =	shalt  }
0x78: {  	_ =	shalt  }
0x79: {  	_ =	shalt  }
0x7a: {  	_ =	shalt  }
0x7b: {  	_ =	shalt  }
0x7c: {  	_ =	shalt  }
0x7d: {  	_ =	shalt  }
0x7e: {  	_ =	shalt  }
0x7f: {  	_ =	shalt  }
0x80: {  	_ =	shalt  }
0x81: {  	_ =	shalt  }
0x82: {  	_ =	shalt  }
0x83: {  	_ =	shalt  }
0x84: {  	_ =	shalt  }
0x85: {  	_ =	shalt  }
0x86: {  	_ =	shalt  }
0x87: {  	_ =	shalt  }
.Lfunc_end0:
.L_simem_size_0:
called_computation.2_lowered:
.L_overlay_start_0:
0x88: {  	s2 =	sld [smem:$0x3FD9]  }
0x89: {  	s3 =	sld [smem:$0x3FFE];
	_ =	sdelay $0x1  }
0x8a: {  	s1 =	srdreg.scid  }
0x8b: {  	s0 =	sand.u32 $0x1, s1  }
0x8c: {  	s17 =	sshll.u32 s0, $0xA;
	s2 =	sadd.s32 s3, s2  }
0x8d: {  	s2 =	sadd.s32 s2, s17  }
0x8e: {  	[smem:$0x3FC0] =	sst s2  }
0x8f: {  	_ = 	snop  }
0x90: {  	s2 =	sld [smem:$0x3FD0];
	(tm) =	ssettm $0x1  }
0x91: {  	s18 =	sld [smem:$0x3FFB];
	_ =	sdelay $0x3  }
0x92: {  	_ =	strace s18  }
0x93: {  	s3 =	sld [smem:$0x3FFC];
	_ =	sdelay $0x3  }
0x94: {  	_ =	strace s3  }
0x95: {  	s3 =	sld [smem:$0x3FFD];
	_ =	sdelay $0x3  }
0x96: {  	_ =	strace s3  }
0x97: {  	_ =	strace $0x8FFFFFFF  }
0x98: {  	s19 =	sld [smem:$0x3FDB];
	_ =	sdelay $0x1  }
0x99: {  	s4 =	simm.s32 $_scs_section_size  }
0x9a: {  	s5 =	simm.s32 $_size__tile_overlayer_lowered;
	s6 =	simm.s32 $_tile_overlayer_lowered  }
0x9b: {  	s22 =	simm.s32 $0x1BFF;
	s21 =	sshll.u32 s6, $0x1;
	s3 =	sadd.s32 s4, s19  }
0x9c: {  	s7 =	simm.s32 $0x0;
	s20 =	sshll.u32 s5, $0x1;
	s5 =	sadd.s32 s21, s3  }
0x9d: {  	[timem:s7], [sflag:s22] =	dma.local [hbm:s5], s20  }
0x9e: {  	_ =	swait.ge [sflag:s22], s20  }
0x9f: {  	s4 =	ssub.s32 $0x0, s20;
	[sflag:s22] =	ssyncset.done $0x0  }
0xa0: {  	[sflag:s22] =	ssyncadd.s32 s4;
	_ =	sdelay $0x1  }
0xa1: {  	s23 =	simm.s32 $0x1B8B  }
0xa2: {  	_ =	swait.ge [sflag:s23], $0x1  }
0xa3: {  	[sflag:s23] =	ssyncset.done $0x0  }
0xa4: {  	s25 =	simm.s32 $0x1B8E;
	s24 =	sld [smem:$0x3FFE];
	[sflag:s23] =	ssyncadd.s32 $0xFFFFFFFF  }
0xa5: {  	s26 =	simm.s32 $execute0_lowered;
	[smem:$0x3FD2] =	sst s25  }
0xa6: {  	s5 =	sshll.u32 s26, $0x1;
	_ =	strace $0x8000004C;
	[dreg:$0x1] =	wrdreg $0xFFFFFFFF  }
0xa7: {  	s28 =	simm.s32 $_size_execute0_lowered;
	s3 =	sadd.s32 s3, s5;
	[dreg:$0x0] =	wrdreg $0x0  }
0xa8: {  	s5 =	sshll.u32 s28, $0x1;
	[dreg:$0x2] =	wrdreg s3  }
0xa9: {  	[dreg:$0x3] =	wrdreg s5  }
0xaa: {  	[dreg:$0x4] =	wrdreg $0xC0  }
0xab: {  	_ =	task [dreg:s7], $0x5FFFF  }
0xac: {  	[dreg:$0x1] =	wrdreg $0xFFFFFFFF  }
0xad: {  	[dreg:$0x0] =	wrdreg $0x60  }
0xae: {  	[dreg:$0x2] =	wrdreg s24  }
0xaf: {  	[dreg:$0x3] =	wrdreg s2  }
0xb0: {  	[dreg:$0x4] =	wrdreg $0x0  }
0xb1: {  	[dreg:$0x5] =	wrdreg $0x9  }
0xb2: {  	_ =	task.clear_ibuf [dreg:s7], $0x6FFFF;
	_ =	strace $0x9000004C  }
0xb3: {  	s29 =	simm.s32 $0x9;
	_ =	strace $0x8000004E  }
0xb4: {  	_ =	swait.ge [sflag:s29], $0x1  }
0xb5: {  	[sflag:s29] =	ssyncadd.s32 $0xFFFFFFFF  }
0xb6: {  	_ =	strace $0x9000004E  }
0xb7: {  	_ =	sfence  }
0xb8: {  	s30 =	sld [smem:$0x0];
	_ =	sdelay $0x2  }
0xb9: {  	s31 =	sshll.u32 s1, $0xD;
	s1 =	sshrl.u32 s1, $0x2  }
0xba: {  	s3 =	sand.u32 $0x4000, s31;
	s1 =	sadd.s32 s1, s30  }
0xbb: {  	s0 =	sor.u32 s3, s0;
	s1 =	sshll.u32 s1, $0x11  }
0xbc: {  	s0 =	sor.u32 s1, s0  }
0xbd: {  	s0 =	sadd.s32 $0x8F2B, s0  }
0xbe: {  	[sflag:s0] =	ssyncadd.remote.s32 $0x1  }
0xbf: {  	_ =	sfence.sel $0xFFFF  }
0xc0: {  	[dreg:$0x0] =	wrdreg $0xFFFFFFFF;
	(pc) =	sbr.abs _section_cstart, $3  }
0xc1: {  	[dreg:$0x1] =	wrdreg $0xFFFFFFFF  }
0xc2: {  	_ =	task.clear_ibuf [dreg:s7], $0x2FFFF;
	_ =	strace $0x9FFFFFFF  }
0xc3: {  	(tm) =	ssettm $0x7FFFFFFF  }
tec
execute0_lowered:
.L_overlay_start_1:
0x0: {  	(tag) =	ssettag $0x1  }
0x1: {  	s0 =	rddreg [dreg:$0x0]  }
0x2: {  	s2 =	rddreg [dreg:$0x1]  }
0x3: {  	s1 =	rddreg [dreg:$0x2]  }
0x4: {  	s3 =	srdreg.scid;
	s6 =	simm.s32 $0x0;
	s9 =	stileid.u32  }
0x5: {  	s3 =	sand.u32 $0x1, s3;
	[smem:$0x7FF] =	sst s6;
	s11 =	smul.u32 $0x2800, s9  }
0x6: {  	s10 =	sadd.s32 $0x1A00, s0;
	s6 =	simm.s32 $0x16800;
	s5 =	smul.u32 $0x28000, s3  }
0x7: {  	s4 =	sshll.u32 s3, $0x4;
	_ =	strace $0x8000004D;
	s3 =	ssub.s32 $0x2, s3  }
0x8: {  	s7 =	sor.u32 s9, s4;
	s4 =	sadd.s32 $0xBA00, s0;
	s9 =	smul.u32 $0x50000, s9  }
0x9: {  	s12 =	sshrl.u32 s3, $0x1;
	s8 =	smul.u32 $0x500, s7;
	s5 =	sadd.s32 s11, s5  }
0xa: {  	s7 =	smul.u32 $0x2800, s7;
	s3 =	ssub.s32 s3, s12;
	s11 =	simm.s32 $0x1  }
0xb: {  	s12 =	simm.s32 $0x2;
	s0 =	sadd.s32 s5, s0;
	s14 =	sshrl.u32 s9, $0x2  }
0xc: {  	s19 =	smax.u32 s3, $0x1;
	s3 =	simm.s32 $0x15400;
	s5 =	simm.s32 $0x80  }
0xd: {  	s9 =	simm.s32 $0x1A800;
	s13 =	sadd.s32 s2, s8;
	s15 =	sshrl.u32 s7, $0x3  }
0xe: {  	s16 =	sadd.s32 s10, s8;
	s7 =	sadd.s32 s14, s1;
	[dreg:$0x9] =	wrdreg s19  }
0xf: {  	s0 =	sadd.s32 $0x5BA00, s0;
	s8 =	simm.s32 $0x14080;
	[dreg:$0x4] =	wrdreg s13  }
0x10: {  	s14 =	simm.s32 $0x16780;
	[dreg:$0x5] =	wrdreg s16;
	s17 =	sadd.s32 $0x280, s15  }
0x11: {  	[dreg:$0x8] =	wrdreg s0;
	s20 =	sadd.s32 $0x1000, s7;
	s21 =	sadd.s32 $0x2000, s7  }
0x12: {  	s22 =	sadd.s32 $0x3000, s7;
	s23 =	sadd.s32 $0x4000, s7;
	s24 =	sadd.s32 $0x5000, s7  }
0x13: {  	s25 =	sadd.s32 $0x6000, s7;
	s26 =	sadd.s32 $0x7000, s7;
	[dreg:$0xa] =	wrdreg s20  }
0x14: {  	s19 =	sadd.s32 $0x8000, s7;
	s28 =	sadd.s32 $0x10000, s7;
	[dreg:$0xb] =	wrdreg s21  }
0x15: {  	s29 =	sadd.s32 $0x11000, s7;
	s30 =	sadd.s32 $0x12000, s7;
	[dreg:$0xc] =	wrdreg s22  }
0x16: {  	s31 =	sadd.s32 $0x13000, s7;
	s0 =	simm.s32 $0x14000;
	[dreg:$0xd] =	wrdreg s23  }
0x17: {  	s13 =	simm.s32 $0x16700;
	s15 =	simm.s32 $0x0;
	[dreg:$0xe] =	wrdreg s24  }
0x18: {  	s2 =	sadd.s32 s2, s17;
	s18 =	sadd.s32 s10, s17;
	[dreg:$0xf] =	wrdreg s25  }
0x19: {  	[dreg:$0x10] =	wrdreg s26;
	s20 =	sadd.s32 $0x9000, s7;
	s21 =	sadd.s32 $0xA000, s7  }
0x1a: {  	s22 =	sadd.s32 $0xB000, s7;
	s23 =	sadd.s32 $0xC000, s7;
	s24 =	sadd.s32 $0xD000, s7  }
0x1b: {  	s25 =	sadd.s32 $0xE000, s7;
	s26 =	sadd.s32 $0xF000, s7;
	[dreg:$0x6] =	wrdreg s2  }
0x1c: {  	v0 =	vimm.f32 $0.0e+00;
	s10 =	simm.s32 $0x1E800;
	[dreg:$0x7] =	wrdreg s18;
	s2 =	simm.s32 $0x3  }
.LBB2_1:
0x1d: {  	s16 =	simm.s32 $0x0;
	s17 =	rddreg [dreg:$0x4]  }
0x1e: {  	[tilespmem:s0], [sflag:$0x3] =	stream.linear.gather [hbm4b:s17+s16], $0x1400, $0x38;
	[tilespmem:$0x1F800] =	vst v63  }
0x1f: {  	_ =	swait.ge [sflag:s2], $0x1400  }
0x20: {  	[sflag:s2] =	ssyncset.done $0x0  }
0x21: {  	s18 =	rddreg [dreg:$0x5];
	[sflag:s2] =	ssyncadd.s32 $0xFFFFEC00  }
0x22: {  	[tilespmem:s3], [sflag:$0x3] =	stream.linear.gather [hbm4b:s18+s16], $0x1400, $0x38;
	[tilespmem:$0x1F800] =	vst v63  }
0x23: {  	_ =	swait.ge [sflag:s2], $0x1400  }
0x24: {  	[sflag:s2] =	ssyncset.done $0x0  }
0x25: {  	[sflag:s2] =	ssyncadd.s32 $0xFFFFEC00  }
0x26: {  	[tilespmem:s6], [sflag:$0x1] =	stream.indirect.gather [hbm4b:s4+s5], $0x80, s0, s5, $0xb8;
	[tilespmem:$0x1F800] =	vst v63  }
0x27: {  	s17 =	simm.s32 $0x200;
	s16 =	simm.s32 $0x0  }
0x28: {  	[tilespmem:s9], [sflag:$0x2] =	stream.indirect.gather [hbm4b:s4+s5], $0x80, s8, s5, $0xb8;
	[tilespmem:$0x1F800] =	vst v63  }
.LBB2_2:
0x29: {  	p0 =	sne.s32 s17, $0x3E00;
	[tilespmem:s16+$0x1E870] =	vst v0  }
0x2a: {  	[tilespmem:s16+$0x1E800] =	vst v0  }
0x2b: {  	[tilespmem:s16+$0x1E810] =	vst v0  }
.Ltmp0:
0x2c: {  	[tilespmem:s16+$0x1E820] =	vst v0;
	(pc) =	sbr.rel @p0 .LBB2_2-.Ltmp0, $4  }
0x2d: {  	[tilespmem:s16+$0x1E830] =	vst v0  }
0x2e: {  	[tilespmem:s16+$0x1E840] =	vst v0  }
0x2f: {  	[tilespmem:s16+$0x1E850] =	vst v0  }
0x30: {  	[tilespmem:s16+$0x1E860] =	vst v0;
	s16 =	sshra.s32 s17, $0x2;
	s17 =	sadd.s32 $0x200, s17  }
0x31: {  	[tilespmem:s16+$0x1E870] =	vst v0  }
0x32: {  	[tilespmem:s16+$0x1E800] =	vst v0  }
0x33: {  	[tilespmem:s16+$0x1E810] =	vst v0  }
0x34: {  	[tilespmem:s16+$0x1E820] =	vst v0  }
0x35: {  	[tilespmem:s16+$0x1E830] =	vst v0  }
0x36: {  	[tilespmem:s16+$0x1E840] =	vst v0  }
0x37: {  	[tilespmem:s16+$0x1E850] =	vst v0  }
0x38: {  	[tilespmem:s16+$0x1E860] =	vst v0  }
0x39: {  	[spmem:s7] =	stream.linear.scatter [tilespmem:s10], [sflag:$0x3], $0x1000, $0x38;
	[tilespmem:$0x1F800] =	vst v63  }
0x3a: {  	_ =	swait.ge [sflag:s2], $0x1000  }
0x3b: {  	[sflag:s2] =	ssyncset.done $0x0  }
0x3c: {  	s17 =	rddreg [dreg:$0xa];
	[sflag:s2] =	ssyncadd.s32 $0xFFFFF000  }
0x3d: {  	[spmem:s17] =	stream.linear.scatter [tilespmem:s10], [sflag:$0x3], $0x1000, $0x38;
	[tilespmem:$0x1F800] =	vst v63  }
0x3e: {  	_ =	swait.ge [sflag:s2], $0x1000  }
0x3f: {  	[sflag:s2] =	ssyncset.done $0x0  }
0x40: {  	s18 =	rddreg [dreg:$0xb];
	[sflag:s2] =	ssyncadd.s32 $0xFFFFF000  }
0x41: {  	[spmem:s18] =	stream.linear.scatter [tilespmem:s10], [sflag:$0x3], $0x1000, $0x38;
	[tilespmem:$0x1F800] =	vst v63  }
0x42: {  	_ =	swait.ge [sflag:s2], $0x1000  }
0x43: {  	[sflag:s2] =	ssyncset.done $0x0  }
0x44: {  	s17 =	rddreg [dreg:$0xc];
	[sflag:s2] =	ssyncadd.s32 $0xFFFFF000  }
0x45: {  	[spmem:s17] =	stream.linear.scatter [tilespmem:s10], [sflag:$0x3], $0x1000, $0x38;
	[tilespmem:$0x1F800] =	vst v63  }
0x46: {  	_ =	swait.ge [sflag:s2], $0x1000  }
0x47: {  	[sflag:s2] =	ssyncset.done $0x0  }
0x48: {  	s18 =	rddreg [dreg:$0xd];
	[sflag:s2] =	ssyncadd.s32 $0xFFFFF000  }
0x49: {  	[spmem:s18] =	stream.linear.scatter [tilespmem:s10], [sflag:$0x3], $0x1000, $0x38;
	[tilespmem:$0x1F800] =	vst v63  }
0x4a: {  	_ =	swait.ge [sflag:s2], $0x1000  }
0x4b: {  	[sflag:s2] =	ssyncset.done $0x0  }
0x4c: {  	s17 =	rddreg [dreg:$0xe];
	[sflag:s2] =	ssyncadd.s32 $0xFFFFF000  }
0x4d: {  	[spmem:s17] =	stream.linear.scatter [tilespmem:s10], [sflag:$0x3], $0x1000, $0x38;
	[tilespmem:$0x1F800] =	vst v63  }
0x4e: {  	_ =	swait.ge [sflag:s2], $0x1000  }
0x4f: {  	[sflag:s2] =	ssyncset.done $0x0  }
0x50: {  	s18 =	rddreg [dreg:$0xf];
	[sflag:s2] =	ssyncadd.s32 $0xFFFFF000  }
0x51: {  	[spmem:s18] =	stream.linear.scatter [tilespmem:s10], [sflag:$0x3], $0x1000, $0x38;
	[tilespmem:$0x1F800] =	vst v63  }
0x52: {  	_ =	swait.ge [sflag:s2], $0x1000  }
0x53: {  	[sflag:s2] =	ssyncset.done $0x0  }
0x54: {  	s17 =	rddreg [dreg:$0x10];
	[sflag:s2] =	ssyncadd.s32 $0xFFFFF000  }
0x55: {  	[spmem:s17] =	stream.linear.scatter [tilespmem:s10], [sflag:$0x3], $0x1000, $0x38;
	[tilespmem:$0x1F800] =	vst v63  }
0x56: {  	_ =	swait.ge [sflag:s2], $0x1000  }
0x57: {  	[sflag:s2] =	ssyncset.done $0x0  }
0x58: {  	[sflag:s2] =	ssyncadd.s32 $0xFFFFF000  }
0x59: {  	[spmem:s19] =	stream.linear.scatter [tilespmem:s10], [sflag:$0x3], $0x1000, $0x38;
	[tilespmem:$0x1F800] =	vst v63  }
0x5a: {  	_ =	swait.ge [sflag:s2], $0x1000  }
0x5b: {  	[sflag:s2] =	ssyncset.done $0x0  }
0x5c: {  	[sflag:s2] =	ssyncadd.s32 $0xFFFFF000  }
0x5d: {  	[spmem:s20] =	stream.linear.scatter [tilespmem:s10], [sflag:$0x3], $0x1000, $0x38;
	[tilespmem:$0x1F800] =	vst v63  }
0x5e: {  	_ =	swait.ge [sflag:s2], $0x1000  }
0x5f: {  	[sflag:s2] =	ssyncset.done $0x0  }
0x60: {  	[sflag:s2] =	ssyncadd.s32 $0xFFFFF000  }
0x61: {  	[spmem:s21] =	stream.linear.scatter [tilespmem:s10], [sflag:$0x3], $0x1000, $0x38;
	[tilespmem:$0x1F800] =	vst v63  }
0x62: {  	_ =	swait.ge [sflag:s2], $0x1000  }
0x63: {  	[sflag:s2] =	ssyncset.done $0x0  }
0x64: {  	[sflag:s2] =	ssyncadd.s32 $0xFFFFF000  }
0x65: {  	[spmem:s22] =	stream.linear.scatter [tilespmem:s10], [sflag:$0x3], $0x1000, $0x38;
	[tilespmem:$0x1F800] =	vst v63  }
0x66: {  	_ =	swait.ge [sflag:s2], $0x1000  }
0x67: {  	[sflag:s2] =	ssyncset.done $0x0  }
0x68: {  	[sflag:s2] =	ssyncadd.s32 $0xFFFFF000  }
0x69: {  	[spmem:s23] =	stream.linear.scatter [tilespmem:s10], [sflag:$0x3], $0x1000, $0x38;
	[tilespmem:$0x1F800] =	vst v63  }
0x6a: {  	_ =	swait.ge [sflag:s2], $0x1000  }
0x6b: {  	[sflag:s2] =	ssyncset.done $0x0  }
0x6c: {  	[sflag:s2] =	ssyncadd.s32 $0xFFFFF000  }
0x6d: {  	[spmem:s24] =	stream.linear.scatter [tilespmem:s10], [sflag:$0x3], $0x1000, $0x38;
	[tilespmem:$0x1F800] =	vst v63  }
0x6e: {  	_ =	swait.ge [sflag:s2], $0x1000  }
0x6f: {  	[sflag:s2] =	ssyncset.done $0x0  }
0x70: {  	[sflag:s2] =	ssyncadd.s32 $0xFFFFF000  }
0x71: {  	[spmem:s25] =	stream.linear.scatter [tilespmem:s10], [sflag:$0x3], $0x1000, $0x38;
	[tilespmem:$0x1F800] =	vst v63  }
0x72: {  	_ =	swait.ge [sflag:s2], $0x1000  }
0x73: {  	[sflag:s2] =	ssyncset.done $0x0  }
0x74: {  	[sflag:s2] =	ssyncadd.s32 $0xFFFFF000  }
0x75: {  	[spmem:s26] =	stream.linear.scatter [tilespmem:s10], [sflag:$0x3], $0x1000, $0x38;
	[tilespmem:$0x1F800] =	vst v63  }
0x76: {  	_ =	swait.ge [sflag:s2], $0x1000  }
0x77: {  	[sflag:s2] =	ssyncset.done $0x0  }
0x78: {  	[sflag:s2] =	ssyncadd.s32 $0xFFFFF000  }
0x79: {  	[spmem:s28] =	stream.linear.scatter [tilespmem:s10], [sflag:$0x3], $0x1000, $0x38;
	[tilespmem:$0x1F800] =	vst v63  }
0x7a: {  	_ =	swait.ge [sflag:s2], $0x1000  }
0x7b: {  	[sflag:s2] =	ssyncset.done $0x0  }
0x7c: {  	[sflag:s2] =	ssyncadd.s32 $0xFFFFF000  }
0x7d: {  	[spmem:s29] =	stream.linear.scatter [tilespmem:s10], [sflag:$0x3], $0x1000, $0x38;
	[tilespmem:$0x1F800] =	vst v63  }
0x7e: {  	_ =	swait.ge [sflag:s2], $0x1000  }
0x7f: {  	[sflag:s2] =	ssyncset.done $0x0  }
0x80: {  	[sflag:s2] =	ssyncadd.s32 $0xFFFFF000  }
0x81: {  	[spmem:s30] =	stream.linear.scatter [tilespmem:s10], [sflag:$0x3], $0x1000, $0x38;
	[tilespmem:$0x1F800] =	vst v63  }
0x82: {  	_ =	swait.ge [sflag:s2], $0x1000  }
0x83: {  	[sflag:s2] =	ssyncset.done $0x0  }
0x84: {  	[sflag:s2] =	ssyncadd.s32 $0xFFFFF000  }
0x85: {  	[spmem:s31] =	stream.linear.scatter [tilespmem:s10], [sflag:$0x3], $0x1000, $0x38;
	[tilespmem:$0x1F800] =	vst v63  }
0x86: {  	_ =	swait.ge [sflag:s2], $0x1000  }
0x87: {  	[sflag:s2] =	ssyncset.done $0x0  }
0x88: {  	[sflag:s2] =	ssyncadd.s32 $0xFFFFF000  }
0x89: {  	[bflag:$0x0] =	sbarrier.arrive $0xFFFF  }
0x8a: {  	_ =	swait.ge [sflag:s11], $0x4000  }
0x8b: {  	[sflag:s11] =	ssyncset.done $0x0  }
0x8c: {  	s18 =	simm.s32 $0x15400;
	[sflag:s11] =	ssyncadd.s32 $0xFFFFC000  }
0x8d: {  	[spmem:s1] =	stream.indirect.scatter.add.f32 [tilespmem:s6], [sflag:$0x3], $0x80, s18, s5, $0xb8;
	[tilespmem:$0x1F800] =	vst v63  }
0x8e: {  	_ =	swait.ge [sflag:s2], $0x4000  }
0x8f: {  	[sflag:s2] =	ssyncset.done $0x0  }
0x90: {  	s17 =	simm.s32 $0x14100;
	[sflag:s2] =	ssyncadd.s32 $0xFFFFC000  }
0x91: {  	[tilespmem:s6], [sflag:$0x1] =	stream.indirect.gather [hbm4b:s4+s5], $0x80, s17, s5, $0xb8;
	[tilespmem:$0x1F800] =	vst v63  }
0x92: {  	_ =	swait.ge [sflag:s12], $0x4000  }
0x93: {  	[sflag:s12] =	ssyncset.done $0x0  }
0x94: {  	s18 =	simm.s32 $0x15480;
	[sflag:s12] =	ssyncadd.s32 $0xFFFFC000  }
0x95: {  	[spmem:s1] =	stream.indirect.scatter.add.f32 [tilespmem:s9], [sflag:$0x3], $0x80, s18, s5, $0xb8;
	[tilespmem:$0x1F800] =	vst v63  }
0x96: {  	_ =	swait.ge [sflag:s2], $0x4000  }
0x97: {  	[sflag:s2] =	ssyncset.done $0x0  }
0x98: {  	s16 =	simm.s32 $0x400;
	s17 =	simm.s32 $0x14180;
	[sflag:s2] =	ssyncadd.s32 $0xFFFFC000  }
.LBB2_4:
0x99: {  	[tilespmem:s9], [sflag:$0x2] =	stream.indirect.gather [hbm4b:s4+s5], $0x80, s17, s5, $0xb8;
	[tilespmem:$0x1F800] =	vst v63  }
0x9a: {  	s17 =	smov.u32 s16  }
0x9b: {  	p0 =	sne.s32 s16, $0x4800;
	s16 =	sadd.s32 $0x400, s16;
	_ =	swait.ge [sflag:s11], $0x4000  }
0x9c: {  	s17 =	sshra.s32 s17, $0x2;
	[sflag:s11] =	ssyncset.done $0x0  }
0x9d: {  	s18 =	sadd.s32 $0x15400, s17;
	[sflag:s11] =	ssyncadd.s32 $0xFFFFC000  }
0x9e: {  	[spmem:s1] =	stream.indirect.scatter.add.f32 [tilespmem:s6], [sflag:$0x3], $0x80, s18, s5, $0xb8;
	[tilespmem:$0x1F800] =	vst v63  }
0x9f: {  	_ =	swait.ge [sflag:s2], $0x4000  }
0xa0: {  	[sflag:s2] =	ssyncset.done $0x0  }
0xa1: {  	s18 =	sadd.s32 $0x14100, s17;
	[sflag:s2] =	ssyncadd.s32 $0xFFFFC000  }
0xa2: {  	[tilespmem:s6], [sflag:$0x1] =	stream.indirect.gather [hbm4b:s4+s5], $0x80, s18, s5, $0xb8;
	[tilespmem:$0x1F800] =	vst v63  }
0xa3: {  	_ =	swait.ge [sflag:s12], $0x4000  }
0xa4: {  	[sflag:s12] =	ssyncset.done $0x0  }
.Ltmp1:
0xa5: {  	s18 =	sadd.s32 $0x15480, s17;
	[sflag:s12] =	ssyncadd.s32 $0xFFFFC000;
	(pc) =	sbr.rel @p0 .LBB2_4-.Ltmp1, $4  }
0xa6: {  	[spmem:s1] =	stream.indirect.scatter.add.f32 [tilespmem:s9], [sflag:$0x3], $0x80, s18, s5, $0xb8;
	[tilespmem:$0x1F800] =	vst v63  }
0xa7: {  	_ =	swait.ge [sflag:s2], $0x4000  }
0xa8: {  	[sflag:s2] =	ssyncset.done $0x0  }
0xa9: {  	s17 =	sadd.s32 $0x14180, s17;
	[sflag:s2] =	ssyncadd.s32 $0xFFFFC000  }
0xaa: {  	[tilespmem:s9], [sflag:$0x2] =	stream.indirect.gather [hbm4b:s4+s5], $0x80, s17, s5, $0xb8;
	[tilespmem:$0x1F800] =	vst v63  }
0xab: {  	_ =	swait.ge [sflag:s11], $0x4000  }
0xac: {  	[sflag:s11] =	ssyncset.done $0x0  }
0xad: {  	[sflag:s11] =	ssyncadd.s32 $0xFFFFC000  }
0xae: {  	[spmem:s1] =	stream.indirect.scatter.add.f32 [tilespmem:s6], [sflag:$0x3], $0x80, s13, s5, $0xb8;
	[tilespmem:$0x1F800] =	vst v63  }
0xaf: {  	_ =	swait.ge [sflag:s2], $0x4000  }
0xb0: {  	[sflag:s2] =	ssyncset.done $0x0  }
0xb1: {  	[sflag:s2] =	ssyncadd.s32 $0xFFFFC000  }
0xb2: {  	_ =	swait.ge [sflag:s12], $0x4000  }
0xb3: {  	[sflag:s12] =	ssyncset.done $0x0  }
0xb4: {  	[sflag:s12] =	ssyncadd.s32 $0xFFFFC000  }
0xb5: {  	[spmem:s1] =	stream.indirect.scatter.add.f32 [tilespmem:s9], [sflag:$0x3], $0x80, s14, s5, $0xb8;
	[tilespmem:$0x1F800] =	vst v63  }
0xb6: {  	_ =	swait.ge [sflag:s2], $0x4000  }
0xb7: {  	[sflag:s2] =	ssyncset.done $0x0  }
0xb8: {  	s16 =	simm.s32 $0x0;
	s18 =	rddreg [dreg:$0x6];
	[sflag:s2] =	ssyncadd.s32 $0xFFFFC000  }
0xb9: {  	[tilespmem:s0], [sflag:$0x3] =	stream.linear.gather [hbm4b:s18+s16], $0x1400, $0x38;
	[tilespmem:$0x1F800] =	vst v63  }
0xba: {  	_ =	swait.ge [sflag:s2], $0x1400  }
0xbb: {  	[sflag:s2] =	ssyncset.done $0x0  }
0xbc: {  	s18 =	rddreg [dreg:$0x7];
	[sflag:s2] =	ssyncadd.s32 $0xFFFFEC00  }
0xbd: {  	[tilespmem:s3], [sflag:$0x3] =	stream.linear.gather [hbm4b:s18+s16], $0x1400, $0x38;
	[tilespmem:$0x1F800] =	vst v63  }
0xbe: {  	_ =	swait.ge [sflag:s2], $0x1400  }
0xbf: {  	[sflag:s2] =	ssyncset.done $0x0  }
0xc0: {  	[sflag:s2] =	ssyncadd.s32 $0xFFFFEC00  }
0xc1: {  	[tilespmem:s6], [sflag:$0x1] =	stream.indirect.gather [hbm4b:s4+s5], $0x80, s0, s5, $0xb8;
	[tilespmem:$0x1F800] =	vst v63  }
0xc2: {  	_ = 	snop  }
0xc3: {  	[tilespmem:s9], [sflag:$0x2] =	stream.indirect.gather [hbm4b:s4+s5], $0x80, s8, s5, $0xb8;
	[tilespmem:$0x1F800] =	vst v63  }
0xc4: {  	_ =	swait.ge [sflag:s11], $0x4000  }
0xc5: {  	[sflag:s11] =	ssyncset.done $0x0  }
0xc6: {  	s18 =	simm.s32 $0x15400;
	[sflag:s11] =	ssyncadd.s32 $0xFFFFC000  }
0xc7: {  	[spmem:s1] =	stream.indirect.scatter.add.f32 [tilespmem:s6], [sflag:$0x3], $0x80, s18, s5, $0xb8;
	[tilespmem:$0x1F800] =	vst v63  }
0xc8: {  	_ =	swait.ge [sflag:s2], $0x4000  }
0xc9: {  	[sflag:s2] =	ssyncset.done $0x0  }
0xca: {  	s17 =	simm.s32 $0x14100;
	[sflag:s2] =	ssyncadd.s32 $0xFFFFC000  }
0xcb: {  	[tilespmem:s6], [sflag:$0x1] =	stream.indirect.gather [hbm4b:s4+s5], $0x80, s17, s5, $0xb8;
	[tilespmem:$0x1F800] =	vst v63  }
0xcc: {  	_ =	swait.ge [sflag:s12], $0x4000  }
0xcd: {  	[sflag:s12] =	ssyncset.done $0x0  }
0xce: {  	s18 =	simm.s32 $0x15480;
	[sflag:s12] =	ssyncadd.s32 $0xFFFFC000  }
0xcf: {  	[spmem:s1] =	stream.indirect.scatter.add.f32 [tilespmem:s9], [sflag:$0x3], $0x80, s18, s5, $0xb8;
	[tilespmem:$0x1F800] =	vst v63  }
0xd0: {  	_ =	swait.ge [sflag:s2], $0x4000  }
0xd1: {  	[sflag:s2] =	ssyncset.done $0x0  }
0xd2: {  	s16 =	simm.s32 $0x400;
	s17 =	simm.s32 $0x14180;
	[sflag:s2] =	ssyncadd.s32 $0xFFFFC000  }
.LBB2_6:
0xd3: {  	[tilespmem:s9], [sflag:$0x2] =	stream.indirect.gather [hbm4b:s4+s5], $0x80, s17, s5, $0xb8;
	[tilespmem:$0x1F800] =	vst v63  }
0xd4: {  	s17 =	smov.u32 s16  }
0xd5: {  	p0 =	sne.s32 s16, $0x4800;
	s16 =	sadd.s32 $0x400, s16;
	_ =	swait.ge [sflag:s11], $0x4000  }
0xd6: {  	s17 =	sshra.s32 s17, $0x2;
	[sflag:s11] =	ssyncset.done $0x0  }
0xd7: {  	s18 =	sadd.s32 $0x15400, s17;
	[sflag:s11] =	ssyncadd.s32 $0xFFFFC000  }
0xd8: {  	[spmem:s1] =	stream.indirect.scatter.add.f32 [tilespmem:s6], [sflag:$0x3], $0x80, s18, s5, $0xb8;
	[tilespmem:$0x1F800] =	vst v63  }
0xd9: {  	_ =	swait.ge [sflag:s2], $0x4000  }
0xda: {  	[sflag:s2] =	ssyncset.done $0x0  }
0xdb: {  	s18 =	sadd.s32 $0x14100, s17;
	[sflag:s2] =	ssyncadd.s32 $0xFFFFC000  }
0xdc: {  	[tilespmem:s6], [sflag:$0x1] =	stream.indirect.gather [hbm4b:s4+s5], $0x80, s18, s5, $0xb8;
	[tilespmem:$0x1F800] =	vst v63  }
0xdd: {  	_ =	swait.ge [sflag:s12], $0x4000  }
0xde: {  	[sflag:s12] =	ssyncset.done $0x0  }
.Ltmp2:
0xdf: {  	s18 =	sadd.s32 $0x15480, s17;
	[sflag:s12] =	ssyncadd.s32 $0xFFFFC000;
	(pc) =	sbr.rel @p0 .LBB2_6-.Ltmp2, $4  }
0xe0: {  	[spmem:s1] =	stream.indirect.scatter.add.f32 [tilespmem:s9], [sflag:$0x3], $0x80, s18, s5, $0xb8;
	[tilespmem:$0x1F800] =	vst v63  }
0xe1: {  	_ =	swait.ge [sflag:s2], $0x4000  }
0xe2: {  	[sflag:s2] =	ssyncset.done $0x0  }
0xe3: {  	s17 =	sadd.s32 $0x14180, s17;
	[sflag:s2] =	ssyncadd.s32 $0xFFFFC000  }
0xe4: {  	[tilespmem:s9], [sflag:$0x2] =	stream.indirect.gather [hbm4b:s4+s5], $0x80, s17, s5, $0xb8;
	[tilespmem:$0x1F800] =	vst v63  }
0xe5: {  	_ =	swait.ge [sflag:s11], $0x4000  }
0xe6: {  	[sflag:s11] =	ssyncset.done $0x0  }
0xe7: {  	[sflag:s11] =	ssyncadd.s32 $0xFFFFC000  }
0xe8: {  	[spmem:s1] =	stream.indirect.scatter.add.f32 [tilespmem:s6], [sflag:$0x3], $0x80, s13, s5, $0xb8;
	[tilespmem:$0x1F800] =	vst v63  }
0xe9: {  	_ =	swait.ge [sflag:s2], $0x4000  }
0xea: {  	[sflag:s2] =	ssyncset.done $0x0  }
0xeb: {  	[sflag:s2] =	ssyncadd.s32 $0xFFFFC000  }
0xec: {  	_ =	swait.ge [sflag:s12], $0x4000  }
0xed: {  	[sflag:s12] =	ssyncset.done $0x0  }
0xee: {  	[sflag:s12] =	ssyncadd.s32 $0xFFFFC000  }
0xef: {  	[spmem:s1] =	stream.indirect.scatter.add.f32 [tilespmem:s9], [sflag:$0x3], $0x80, s14, s5, $0xb8;
	[tilespmem:$0x1F800] =	vst v63  }
0xf0: {  	_ =	swait.ge [sflag:s2], $0x4000  }
0xf1: {  	[sflag:s2] =	ssyncset.done $0x0  }
0xf2: {  	s16 =	stileid.u32;
	[sflag:s2] =	ssyncadd.s32 $0xFFFFC000  }
0xf3: {  	s16 =	sshll.u32 s16, $0x6;
	[bflag:$0x0] =	sbarrier.arrive $0xFFFF  }
0xf4: {  	s17 =	sshrl.u32 s7, $0x3;
	s16 =	sor.u32 $0x1C03, s16;
	s18 =	rddreg [dreg:$0x8]  }
0xf5: {  	[hbm:s18], [sflag:s16] =	dma.local [spmem:s17], $0x2800  }
0xf6: {  	_ =	swait.ge [sflag:s2], $0x2800  }
0xf7: {  	s15 =	sadd.s32 $0x1, s15;
	s18 =	rddreg [dreg:$0x9]  }
0xf8: {  	p0 =	sne.s32 s15, s18  }
.Ltmp3:
0xf9: {  	_ = 	snop;
	(pc) =	sbr.rel @p0 .LBB2_1-.Ltmp3, $3  }
0xfa: {  	_ =	sdelay $0x1  }
0xfb: {  	[sflag:s2] =	ssyncset.done $0x0  }
0xfc: {  	[sflag:s2] =	ssyncadd.s32 $0xFFFFD800  }
0xfd: {  	_ =	sfence.sel $0x180000  }
0xfe: {  	[bflag:$0x0] =	sbarrier.arrive $0xFFFF  }
0xff: {  	_ =	strace $0x9000004D  }
0x100: {  	s0 =	stileid.u32;
	[bflag:$0x2] =	sbarrier.arrive $0xFFFF  }
0x101: {  	p0 =	sne.s32 s0, $0x0;
	s0 =	rddreg [dreg:$0x3]  }
0x102: {  	s0 =	sadd.s32 @!p0 $0x100000, s0  }
0x103: {  	[sflag:s0] =	ssyncadd.tile.s32 @!p0 $0x1;
	_ =	shalt  }
.Lfunc_end2:
_tile_overlayer_lowered:
.L_overlay_start_2:
0x104: {  	(tag) =	ssettag $0x2  }
0x105: {  	s0 =	rddreg [dreg:$0x0];
	s2 =	stileid.u32  }
0x106: {  	s1 =	rddreg [dreg:$0x1];
	p0 =	sne.s32 s2, $0x0  }
0x107: {  	s3 =	rddreg [dreg:$0x2];
	[bflag:$0x3] =	sbarrier.arrive $0xFFFF;
	s2 =	simm.s32 @!p0 $0x1C03  }
0x108: {  	[timem:s3], [sflag:s2] =	dma.local @!p0 [hbm:s0], s1  }
0x109: {  	s0 =	simm.s32 @!p0 $0x3  }
0x10a: {  	_ =	swait.ge @!p0 [sflag:s0], s1  }
0x10b: {  	s1 =	ssub.s32 @!p0 $0x0, s1;
	[sflag:s0] =	ssyncset.done @!p0 $0x0  }
0x10c: {  	[sflag:s0] =	ssyncadd.s32 @!p0 s1  }
0x10d: {  	[bflag:$0x3] =	sbarrier.arrive $0xFFFF  }
0x10e: {  	_ =	shalt  }

// kernel: kernel.8.cloned.1.call-start
scs
__scs_entry_jumppad:
0x0: {  	(pc) =	sbr.rel $0x88, $3  }
0x1: {  	(tag) =	ssettag $0x0;
	lr =	simm.s32 $0x1  }
0x2: {  	[smem:$0x3F99] =	sst lr;
	_ =	strace $0xD0000000  }
0x3: {  	_ = 	snop  }
0x4: {  	_ = 	snop  }
0x5: {  	_ = 	snop  }
0x6: {  	_ = 	snop  }
0x7: {  	_ = 	snop  }
__scs_overlays_trampoline_lowered:
0x8: {  	[smem:$0x3FA8] =	sst s0  }
0x9: {  	[smem:$0x3FA9] =	sst s1  }
0xa: {  	[smem:$0x3FAA] =	sst s2  }
0xb: {  	[smem:$0x3FAB] =	sst s3  }
0xc: {  	[smem:$0x3FAC] =	sst s4  }
0xd: {  	[smem:$0x3FAD] =	sst s5  }
0xe: {  	[smem:$0x3FAE] =	sst s6  }
0xf: {  	[smem:$0x3FAF] =	sst s7  }
0x10: {  	[smem:$0x3FB0] =	sst s8  }
0x11: {  	[smem:$0x3FB1] =	sst s9;
	s0 =	simm.s32 @!p0 $0x0  }
0x12: {  	s1 =	sld [smem:$0x3F97];
	s0 =	simm.s32 @p0 $0x1  }
0x13: {  	[smem:$0x3FB2] =	sst s0;
	s0 =	simm.s32 @!p1 $0x0  }
0x14: {  	s2 =	sld [smem:$0x3F96];
	s0 =	simm.s32 @p1 $0x1  }
0x15: {  	[smem:$0x3FB3] =	sst s0;
	s0 =	simm.s32 @!p2 $0x0  }
0x16: {  	s3 =	sld [smem:$0x3FDB];
	s0 =	simm.s32 @p2 $0x1  }
0x17: {  	s4 =	simm.s32 $0x1BF5;
	[smem:$0x3FB5] =	sst s0  }
0x18: {  	s0 =	sld [smem:$0x3F98];
	_ =	swait.ge [sflag:s4], $0x0  }
0x19: {  	s7 =	sld [smem:$0x3F99]  }
0x1a: {  	s8 =	sadd.s32 $0xFFFFE003, lr  }
0x1b: {  	s9 =	sadd.s32 $0xFFFFFEF7, lr;
	s5 =	simm.s32 $0xFFFFFFFF;
	p2 =	slt.u32 s8, $0xFFFFF086  }
0x1c: {  	p1 =	slt.u32 s9, $0xF7A;
	s5 =	simm.s32 @!p2 $0x0  }
0x1d: {  	s5 =	simm.s32 @p1 $0x1;
	p0 =	seq.s32 s7, s2  }
0x1e: {  	s7 =	smul.u32 @!p0 $0xF7A, s2;
	p2 =	seq.s32 @!p0 s5, $0x0  }
0x1f: {  	s9 =	smul.u32 $0xF7A, s1;
	s8 =	simm.s32 @!p0 $0x1BF5;
	p2 =	por !p2, p0  }
0x20: {  	[sflag:s8] =	ssyncset.s32 @!p0 $0xFFFFF086;
	s6 =	sadd.s32 @!p0 s3, s7;
	s7 =	simm.s32 @!p0 $0x108  }
0x21: {  	s3 =	sadd.s32 s3, s9;
	s6 =	sadd.s32 @!p0 $0x88, s6;
	s7 =	simm.s32 @p2 $0x1082  }
0x22: {  	[simem:s7], [sflag:s8] =	dma.local @!p0 [hbm:s6], $0xF7A  }
0x23: {  	s9 =	sor.u32 $0xD0000000, s2;
	s6 =	simm.s32 $0x108;
	_ =	swait.ge @!p0 [sflag:s8], $0x0  }
0x24: {  	s3 =	sadd.s32 $0x88, s3;
	s6 =	simm.s32 @!p1 $0x1082;
	[sflag:s4] =	ssyncset.s32 $0xFFFFF086  }
0x25: {  	[simem:s6], [sflag:s4] =	dma.local [hbm:s3], $0xF7A  }
0x26: {  	[smem:$0x3F99] =	sst s1;
	(tag) =	ssettag s2;
	_ =	strace s9  }
0x27: {  	s1 =	sld [smem:$0x3FA9]  }
0x28: {  	s2 =	sld [smem:$0x3FAA]  }
0x29: {  	s4 =	sld [smem:$0x3FAC]  }
0x2a: {  	p0 =	seq.s32 s5, $0x0;
	s5 =	sld [smem:$0x3FAD]  }
0x2b: {  	s6 =	sld [smem:$0x3FAE]  }
0x2c: {  	s7 =	sld [smem:$0x3FAF]  }
0x2d: {  	s3 =	simm.s32 $0x108;
	s8 =	sld [smem:$0x3FB0]  }
0x2e: {  	s3 =	simm.s32 @!p0 $0x1082;
	s9 =	sld [smem:$0x3FB1]  }
0x2f: {  	lr =	sadd.s32 s0, s3;
	s0 =	sld [smem:$0x3FA8]  }
0x30: {  	s3 =	sld [smem:$0x3FAB]  }
0x31: {  	[smem:$0x3FB4] =	sst s10  }
0x32: {  	s10 =	sld [smem:$0x3FB2];
	_ =	sdelay $0x3  }
0x33: {  	p0 =	seq.s32 s10, $0x1;
	s10 =	sld [smem:$0x3FB4];
	_ =	sdelay $0x3  }
0x34: {  	[smem:$0x3FB4] =	sst s10  }
0x35: {  	s10 =	sld [smem:$0x3FB3];
	_ =	sdelay $0x3  }
0x36: {  	p1 =	seq.s32 s10, $0x1;
	s10 =	sld [smem:$0x3FB4];
	_ =	sdelay $0x3  }
0x37: {  	[smem:$0x3FB4] =	sst s10  }
0x38: {  	s10 =	sld [smem:$0x3FB5]  }
0x39: {  	_ = 	snop;
	(pc) =	sbr.ind lr, $3  }
0x3a: {  	_ = 	snop  }
0x3b: {  	_ = 	snop  }
0x3c: {  	p2 =	seq.s32 s10, $0x1;
	s10 =	sld [smem:$0x3FB4]  }
0x3d: {  	_ =	shalt  }
0x3e: {  	_ =	shalt  }
0x3f: {  	_ =	shalt  }
0x40: {  	_ =	shalt  }
0x41: {  	_ =	shalt  }
0x42: {  	_ =	shalt  }
0x43: {  	_ =	shalt  }
0x44: {  	_ =	shalt  }
0x45: {  	_ =	shalt  }
0x46: {  	_ =	shalt  }
0x47: {  	_ =	shalt  }
0x48: {  	_ =	shalt  }
0x49: {  	_ =	shalt  }
0x4a: {  	_ =	shalt  }
0x4b: {  	_ =	shalt  }
0x4c: {  	_ =	shalt  }
0x4d: {  	_ =	shalt  }
0x4e: {  	_ =	shalt  }
0x4f: {  	_ =	shalt  }
0x50: {  	_ =	shalt  }
0x51: {  	_ =	shalt  }
0x52: {  	_ =	shalt  }
0x53: {  	_ =	shalt  }
0x54: {  	_ =	shalt  }
0x55: {  	_ =	shalt  }
0x56: {  	_ =	shalt  }
0x57: {  	_ =	shalt  }
0x58: {  	_ =	shalt  }
0x59: {  	_ =	shalt  }
0x5a: {  	_ =	shalt  }
0x5b: {  	_ =	shalt  }
0x5c: {  	_ =	shalt  }
0x5d: {  	_ =	shalt  }
0x5e: {  	_ =	shalt  }
0x5f: {  	_ =	shalt  }
0x60: {  	_ =	shalt  }
0x61: {  	_ =	shalt  }
0x62: {  	_ =	shalt  }
0x63: {  	_ =	shalt  }
0x64: {  	_ =	shalt  }
0x65: {  	_ =	shalt  }
0x66: {  	_ =	shalt  }
0x67: {  	_ =	shalt  }
0x68: {  	_ =	shalt  }
0x69: {  	_ =	shalt  }
0x6a: {  	_ =	shalt  }
0x6b: {  	_ =	shalt  }
0x6c: {  	_ =	shalt  }
0x6d: {  	_ =	shalt  }
0x6e: {  	_ =	shalt  }
0x6f: {  	_ =	shalt  }
0x70: {  	_ =	shalt  }
0x71: {  	_ =	shalt  }
0x72: {  	_ =	shalt  }
0x73: {  	_ =	shalt  }
0x74: {  	_ =	shalt  }
0x75: {  	_ =	shalt  }
0x76: {  	_ =	shalt  }
0x77: {  	_ =	shalt  }
0x78: {  	_ =	shalt  }
0x79: {  	_ =	shalt  }
0x7a: {  	_ =	shalt  }
0x7b: {  	_ =	shalt  }
0x7c: {  	_ =	shalt  }
0x7d: {  	_ =	shalt  }
0x7e: {  	_ =	shalt  }
0x7f: {  	_ =	shalt  }
0x80: {  	_ =	shalt  }
0x81: {  	_ =	shalt  }
0x82: {  	_ =	shalt  }
0x83: {  	_ =	shalt  }
0x84: {  	_ =	shalt  }
0x85: {  	_ =	shalt  }
0x86: {  	_ =	shalt  }
0x87: {  	_ =	shalt  }
.Lfunc_end0:
.L_simem_size_0:
called_computation_lowered:
.L_overlay_start_0:
0x88: {  	s2 =	sld [smem:$0x3FD9]  }
0x89: {  	s3 =	sld [smem:$0x3FFE];
	_ =	sdelay $0x1  }
0x8a: {  	s1 =	srdreg.scid  }
0x8b: {  	s0 =	sand.u32 $0x1, s1  }
0x8c: {  	s16 =	sshll.u32 s0, $0xA;
	s2 =	sadd.s32 s3, s2  }
0x8d: {  	s2 =	sadd.s32 s2, s16  }
0x8e: {  	[smem:$0x3FC0] =	sst s2  }
0x8f: {  	_ = 	snop  }
0x90: {  	(tm) =	ssettm $0x1  }
0x91: {  	s17 =	sld [smem:$0x3FFB];
	_ =	sdelay $0x3  }
0x92: {  	_ =	strace s17  }
0x93: {  	s2 =	sld [smem:$0x3FFC];
	_ =	sdelay $0x3  }
0x94: {  	_ =	strace s2  }
0x95: {  	s2 =	sld [smem:$0x3FFD];
	_ =	sdelay $0x3  }
0x96: {  	_ =	strace s2  }
0x97: {  	_ =	strace $0x8FFFFFFF  }
0x98: {  	s18 =	sld [smem:$0x3FDB];
	_ =	sdelay $0x1  }
0x99: {  	s19 =	simm.s32 $_scs_section_size  }
0x9a: {  	s4 =	simm.s32 $_size__tile_overlayer_lowered;
	s5 =	simm.s32 $_tile_overlayer_lowered  }
0x9b: {  	s22 =	simm.s32 $0x1BFF;
	s21 =	sshll.u32 s5, $0x1;
	s2 =	sadd.s32 s19, s18  }
0x9c: {  	s6 =	simm.s32 $0x0;
	s20 =	sshll.u32 s4, $0x1;
	s4 =	sadd.s32 s21, s2  }
0x9d: {  	[timem:s6], [sflag:s22] =	dma.local [hbm:s4], s20  }
0x9e: {  	_ =	swait.ge [sflag:s22], s20  }
0x9f: {  	s3 =	ssub.s32 $0x0, s20;
	[sflag:s22] =	ssyncset.done $0x0  }
0xa0: {  	[sflag:s22] =	ssyncadd.s32 s3;
	_ =	sdelay $0x1  }
0xa1: {  	s23 =	simm.s32 $0x1B8B  }
0xa2: {  	_ =	swait.ge [sflag:s23], $0x1  }
0xa3: {  	[sflag:s23] =	ssyncset.done $0x0  }
0xa4: {  	s25 =	simm.s32 $0x1B8E;
	s24 =	sld [smem:$0x3FFE];
	[sflag:s23] =	ssyncadd.s32 $0xFFFFFFFF  }
0xa5: {  	s26 =	simm.s32 $execute0_lowered;
	[smem:$0x3FD2] =	sst s25  }
0xa6: {  	s4 =	sshll.u32 s26, $0x1;
	_ =	strace $0x80000046;
	[dreg:$0x1] =	wrdreg $0xFFFFFFFF  }
0xa7: {  	s28 =	simm.s32 $_size_execute0_lowered;
	s2 =	sadd.s32 s2, s4;
	[dreg:$0x0] =	wrdreg $0x0  }
0xa8: {  	s4 =	sshll.u32 s28, $0x1;
	[dreg:$0x2] =	wrdreg s2  }
0xa9: {  	[dreg:$0x3] =	wrdreg s4  }
0xaa: {  	[dreg:$0x4] =	wrdreg $0xC0  }
0xab: {  	_ =	task [dreg:s6], $0x5FFFF  }
0xac: {  	[dreg:$0x1] =	wrdreg $0xFFFFFFFF  }
0xad: {  	[dreg:$0x0] =	wrdreg $0x60  }
0xae: {  	[dreg:$0x2] =	wrdreg s24  }
0xaf: {  	[dreg:$0x3] =	wrdreg $0x0  }
0xb0: {  	[dreg:$0x4] =	wrdreg $0x9  }
0xb1: {  	_ =	task.clear_ibuf [dreg:s6], $0x5FFFF;
	_ =	strace $0x90000046  }
0xb2: {  	s29 =	simm.s32 $0x9;
	_ =	strace $0x80000048  }
0xb3: {  	_ =	swait.ge [sflag:s29], $0x1  }
0xb4: {  	[sflag:s29] =	ssyncadd.s32 $0xFFFFFFFF  }
0xb5: {  	_ =	strace $0x90000048  }
0xb6: {  	_ =	sfence  }
0xb7: {  	s30 =	sld [smem:$0x0];
	_ =	sdelay $0x2  }
0xb8: {  	s31 =	sshll.u32 s1, $0xD;
	s1 =	sshrl.u32 s1, $0x2  }
0xb9: {  	s3 =	sand.u32 $0x4000, s31;
	s1 =	sadd.s32 s1, s30  }
0xba: {  	s0 =	sor.u32 s3, s0;
	s1 =	sshll.u32 s1, $0x11  }
0xbb: {  	s0 =	sor.u32 s1, s0  }
0xbc: {  	s0 =	sadd.s32 $0x8F2B, s0  }
0xbd: {  	[sflag:s0] =	ssyncadd.remote.s32 $0x1  }
0xbe: {  	_ =	sfence.sel $0xFFFF  }
0xbf: {  	[dreg:$0x0] =	wrdreg $0xFFFFFFFF;
	(pc) =	sbr.abs _section_cstart, $3  }
0xc0: {  	[dreg:$0x1] =	wrdreg $0xFFFFFFFF  }
0xc1: {  	_ =	task.clear_ibuf [dreg:s6], $0x2FFFF;
	_ =	strace $0x9FFFFFFF  }
0xc2: {  	(tm) =	ssettm $0x7FFFFFFF  }
0xc3: {  	_ =	shalt  }
tec
execute0_lowered:
.L_overlay_start_1:
0x0: {  	(tag) =	ssettag $0x1  }
0x1: {  	s4 =	rddreg [dreg:$0x0]  }
0x2: {  	s2 =	rddreg [dreg:$0x1]  }
0x3: {  	s1 =	srdreg.scid;
	s0 =	rddreg [dreg:$0x2];
	s3 =	simm.s32 $0x0  }
0x4: {  	s10 =	simm.s32 $0x2A80;
	s11 =	simm.s32 $0x50;
	s12 =	simm.s32 $0x7A80  }
0x5: {  	s13 =	simm.s32 $0x5280;
	s5 =	sand.u32 $0x1, s1;
	s1 =	stileid.u32  }
0x6: {  	[smem:$0x7FF] =	sst s3;
	s6 =	sshll.u32 s5, $0x4;
	s7 =	smul.u32 $0x2800, s5  }
0x7: {  	s8 =	sshll.u32 s1, $0xA;
	_ =	strace $0x80000047;
	s5 =	ssub.s32 $0x2, s5  }
0x8: {  	p0 =	sgt.u32 s1, $0x9;
	s6 =	sor.u32 s1, s6;
	s31 =	sshrl.u32 s5, $0x1  }
0x9: {  	s14 =	sshll.u32 @!p0 s1, $0x6;
	s6 =	smul.u32 $0x500, s6;
	s7 =	sadd.s32 s7, s8  }
0xa: {  	s9 =	ssub.s32 s5, s31;
	s14 =	sor.u32 @!p0 $0x1C01, s14;
	s7 =	sshrl.u32 s7, $0x3  }
0xb: {  	v0 =	vlaneseq.u32;
	s6 =	sadd.s32 s6, s4;
	s7 =	sadd.s32 s7, s4;
	s4 =	sadd.s32 s8, s2  }
0xc: {  	v1 =	vimm.f32 $0.0e+00;
	v6 =	vimm.f32 $1.000000000e+00;
	v2 =	vor.u32 $0x10, v0;
	s8 =	simm.s32 $0x280;
	s5 =	sadd.s32 $0x1A00, s6;
	s6 =	sadd.s32 $0xBA00, s7  }
0xd: {  	v3 =	vor.u32 $0x20, v0;
	v4 =	vor.u32 $0x30, v0;
	v5 =	vor.u32 $0x40, v0;
	s7 =	smax.u32 s9, $0x1;
	s9 =	simm.s32 $0x1;
	s15 =	sshrl.u32 @!p0 s4, $0x3  }
.LBB2_1:
0xe: {  	s16 =	simm.s32 $0x40;
	s17 =	simm.s32 $0x0  }
.LBB2_2:
0xf: {  	p1 =	sne.s32 s16, $0x9FC0;
	[tilespmem:s17+$0x2A80] =	vst v1;
	s17 =	smov.u32 s16;
	s16 =	sadd.s32 $0x40, s16  }
.Ltmp0:
0x10: {  	(pc) =	sbr.rel @p1 .LBB2_2-.Ltmp0, $2  }
0x11: {  	_ =	sdelay $0x2  }
0x12: {  	s17 =	sshra.s32 s17, $0x2  }
0x13: {  	[tilespmem:s17+$0x2A80] =	vst v1  }
0x14: {  	[tilespmem:$0x7A80] =	vst v0  }
0x15: {  	[tilespmem:$0x7A90] =	vst v2  }
0x16: {  	[tilespmem:$0x7AA0] =	vst v3  }
0x17: {  	[tilespmem:$0x7AB0] =	vst v4  }
0x18: {  	[tilespmem:$0x7AC0] =	vst v5  }
0x19: {  	[tilespmem:$0x5280] =	vst v1  }
0x1a: {  	[tilespmem:$0x5290] =	vst v1  }
0x1b: {  	[tilespmem:$0x52A0] =	vst v1  }
0x1c: {  	[tilespmem:$0x52B0] =	vst v1  }
0x1d: {  	[tilespmem:$0x52C0] =	vst v1  }
0x1e: {  	[tilespmem:$0x52D0] =	vst v1  }
0x1f: {  	[tilespmem:$0x52E0] =	vst v1  }
0x20: {  	[tilespmem:$0x52F0] =	vst v1  }
0x21: {  	[tilespmem:$0x5300] =	vst v1  }
0x22: {  	[tilespmem:$0x5310] =	vst v1  }
0x23: {  	[tilespmem:$0x5320] =	vst v1  }
0x24: {  	[tilespmem:$0x5330] =	vst v1  }
0x25: {  	[tilespmem:$0x5340] =	vst v1  }
0x26: {  	[tilespmem:$0x5350] =	vst v1  }
0x27: {  	[tilespmem:$0x5360] =	vst v1  }
0x28: {  	[tilespmem:$0x5370] =	vst v1  }
0x29: {  	[tilespmem:$0x5380] =	vst v1  }
0x2a: {  	[tilespmem:$0x5390] =	vst v1  }
0x2b: {  	[tilespmem:$0x53A0] =	vst v1  }
0x2c: {  	[tilespmem:$0x53B0] =	vst v1  }
0x2d: {  	[tilespmem:$0x53C0] =	vst v1  }
0x2e: {  	[tilespmem:$0x53D0] =	vst v1  }
0x2f: {  	[tilespmem:$0x53E0] =	vst v1  }
0x30: {  	[tilespmem:$0x53F0] =	vst v1  }
0x31: {  	[tilespmem:$0x5400] =	vst v1  }
0x32: {  	[tilespmem:$0x5410] =	vst v1  }
0x33: {  	[tilespmem:$0x5420] =	vst v1  }
0x34: {  	[tilespmem:$0x5430] =	vst v1  }
0x35: {  	[tilespmem:$0x5440] =	vst v1  }
0x36: {  	[tilespmem:$0x5450] =	vst v1  }
0x37: {  	[tilespmem:$0x5460] =	vst v1  }
0x38: {  	[tilespmem:$0x5470] =	vst v1  }
0x39: {  	[tilespmem:$0x5480] =	vst v1  }
0x3a: {  	[tilespmem:$0x5490] =	vst v1  }
0x3b: {  	[tilespmem:$0x54A0] =	vst v1  }
0x3c: {  	[tilespmem:$0x54B0] =	vst v1  }
0x3d: {  	[tilespmem:$0x54C0] =	vst v1  }
0x3e: {  	[tilespmem:$0x54D0] =	vst v1  }
0x3f: {  	[tilespmem:$0x54E0] =	vst v1  }
0x40: {  	[tilespmem:$0x54F0] =	vst v1  }
0x41: {  	[tilespmem:$0x5500] =	vst v1  }
0x42: {  	[tilespmem:$0x5510] =	vst v1  }
0x43: {  	[tilespmem:$0x5520] =	vst v1  }
0x44: {  	[tilespmem:$0x5530] =	vst v1  }
0x45: {  	[tilespmem:$0x5540] =	vst v1  }
0x46: {  	[tilespmem:$0x5550] =	vst v1  }
0x47: {  	[tilespmem:$0x5560] =	vst v1  }
0x48: {  	[tilespmem:$0x5570] =	vst v1  }
0x49: {  	[tilespmem:$0x5580] =	vst v1  }
0x4a: {  	[tilespmem:$0x5590] =	vst v1  }
0x4b: {  	[tilespmem:$0x55A0] =	vst v1  }
0x4c: {  	[tilespmem:$0x55B0] =	vst v1  }
0x4d: {  	[tilespmem:$0x55C0] =	vst v1  }
0x4e: {  	[tilespmem:$0x55D0] =	vst v1  }
0x4f: {  	[tilespmem:$0x55E0] =	vst v1  }
0x50: {  	[tilespmem:$0x55F0] =	vst v1  }
0x51: {  	[tilespmem:$0x5600] =	vst v1  }
0x52: {  	[tilespmem:$0x5610] =	vst v1  }
0x53: {  	[tilespmem:$0x5620] =	vst v1  }
0x54: {  	[tilespmem:$0x5630] =	vst v1  }
0x55: {  	[tilespmem:$0x5640] =	vst v1  }
0x56: {  	[tilespmem:$0x5650] =	vst v1  }
0x57: {  	[tilespmem:$0x5660] =	vst v1  }
0x58: {  	s16 =	simm.s32 @!p0 $0x5280;
	[tilespmem:$0x5670] =	vst v1  }
0x59: {  	[spmem:s4] =	stream.linear.scatter @!p0 [tilespmem:s16], [sflag:$0x1], $0x400, $0x38;
	[tilespmem:$0x7B00] =	vst v63  }
0x5a: {  	s16 =	simm.s32 @!p0 $0x1  }
0x5b: {  	_ =	swait.ge @!p0 [sflag:s16], $0x400  }
0x5c: {  	[sflag:s16] =	ssyncset.done @!p0 $0x0  }
0x5d: {  	[sflag:s16] =	ssyncadd.s32 @!p0 $0xFFFFFC00;
	s16 =	simm.s32 $0x0  }
0x5e: {  	[tilespmem:s8], [sflag:$0x1] =	stream.linear.gather [hbm4b:s5+s16], $0x2800, $0x38;
	[tilespmem:$0x7B00] =	vst v63  }
0x5f: {  	_ =	swait.ge [sflag:s9], $0x2800  }
0x60: {  	[sflag:s9] =	ssyncset.done $0x0  }
0x61: {  	[sflag:s9] =	ssyncadd.s32 $0xFFFFD800  }
0x62: {  	[bflag:$0x0] =	sbarrier.arrive $0xFFFF  }
.LBB2_4:
0x63: {  	s17 =	sshra.s32 s16, $0x2  }
0x64: {  	v7 =	vld [tilespmem:s17+$0x280];
	_ =	sdelay $0x7  }
0x65: {  	[tilespmem:v7+s10+$0x0] =	vst.idx.add.f32.msk $0xffff, v6  }
0x66: {  	v7 =	vld [tilespmem:s17+$0x290];
	_ =	sdelay $0x7  }
0x67: {  	[tilespmem:v7+s10+$0x0] =	vst.idx.add.f32.msk $0xffff, v6  }
0x68: {  	v7 =	vld [tilespmem:s17+$0x2A0];
	_ =	sdelay $0x7  }
0x69: {  	[tilespmem:v7+s10+$0x0] =	vst.idx.add.f32.msk $0xffff, v6  }
0x6a: {  	v7 =	vld [tilespmem:s17+$0x2B0];
	_ =	sdelay $0x7  }
0x6b: {  	[tilespmem:v7+s10+$0x0] =	vst.idx.add.f32.msk $0xffff, v6  }
0x6c: {  	v7 =	vld [tilespmem:s17+$0x2C0];
	_ =	sdelay $0x7  }
0x6d: {  	[tilespmem:v7+s10+$0x0] =	vst.idx.add.f32.msk $0xffff, v6  }
0x6e: {  	v7 =	vld [tilespmem:s17+$0x2D0];
	_ =	sdelay $0x7  }
0x6f: {  	[tilespmem:v7+s10+$0x0] =	vst.idx.add.f32.msk $0xffff, v6  }
0x70: {  	v7 =	vld [tilespmem:s17+$0x2E0];
	_ =	sdelay $0x7  }
0x71: {  	[tilespmem:v7+s10+$0x0] =	vst.idx.add.f32.msk $0xffff, v6  }
0x72: {  	v7 =	vld [tilespmem:s17+$0x2F0];
	_ =	sdelay $0x2  }
0x73: {  	p1 =	sne.s32 s16, $0x9E00  }
.Ltmp1:
0x74: {  	_ = 	snop;
	(pc) =	sbr.rel @p1 .LBB2_4-.Ltmp1, $2  }
0x75: {  	_ =	sdelay $0x2  }
0x76: {  	s16 =	sadd.s32 $0x200, s16;
	[tilespmem:v7+s10+$0x0] =	vst.idx.add.f32.msk $0xffff, v6  }
0x77: {  	s16 =	simm.s32 $0x0  }
0x78: {  	v10 =	vld [tilespmem:s16+$0x2AF0]  }
0x79: {  	v11 =	vld [tilespmem:s16+$0x2A80]  }
0x7a: {  	v12 =	vld [tilespmem:s16+$0x2A90]  }
0x7b: {  	v9 =	vld [tilespmem:s16+$0x2AA0]  }
0x7c: {  	v7 =	vld [tilespmem:s16+$0x2AB0]  }
0x7d: {  	v8 =	vld [tilespmem:s16+$0x2AC0];
	[tilespmem:s16+$0x52F0] =	vst v10  }
0x7e: {  	[tilespmem:s16+$0x5280] =	vst v11;
	v10 =	vld [tilespmem:s16+$0x2AD0]  }
0x7f: {  	s17 =	simm.s32 $0x80;
	s18 =	simm.s32 $0x400;
	[tilespmem:s16+$0x5290] =	vst v12;
	v11 =	vld [tilespmem:s16+$0x2AE0]  }
.LBB2_6:
0x80: {  	p1 =	sne.s32 s18, $0x9E00;
	v12 =	vld [tilespmem:s17+$0x2AF0];
	[tilespmem:s16+$0x52A0] =	vst v9  }
0x81: {  	v13 =	vld [tilespmem:s17+$0x2A80];
	[tilespmem:s16+$0x52B0] =	vst v7  }
0x82: {  	v14 =	vld [tilespmem:s17+$0x2A90];
	[tilespmem:s16+$0x52C0] =	vst v8  }
.Ltmp2:
0x83: {  	v9 =	vld [tilespmem:s17+$0x2AA0];
	[tilespmem:s16+$0x52D0] =	vst v10;
	(pc) =	sbr.rel @p1 .LBB2_6-.Ltmp2, $4  }
0x84: {  	v7 =	vld [tilespmem:s17+$0x2AB0];
	[tilespmem:s16+$0x52E0] =	vst v11;
	s16 =	smov.u32 s17  }
0x85: {  	v8 =	vld [tilespmem:s16+$0x2AC0];
	[tilespmem:s16+$0x52F0] =	vst v12  }
0x86: {  	[tilespmem:s16+$0x5280] =	vst v13;
	v10 =	vld [tilespmem:s16+$0x2AD0]  }
0x87: {  	s17 =	sshra.s32 s18, $0x2;
	s18 =	sadd.s32 $0x200, s18;
	[tilespmem:s16+$0x5290] =	vst v14;
	v11 =	vld [tilespmem:s16+$0x2AE0]  }
0x88: {  	v12 =	vld [tilespmem:s17+$0x2AF0];
	[tilespmem:s16+$0x52A0] =	vst v9  }
0x89: {  	v9 =	vld [tilespmem:s17+$0x2A80];
	[tilespmem:s16+$0x52B0] =	vst v7  }
0x8a: {  	v7 =	vld [tilespmem:s17+$0x2A90];
	[tilespmem:s16+$0x52C0] =	vst v8  }
0x8b: {  	v8 =	vld [tilespmem:s17+$0x2AA0];
	[tilespmem:s16+$0x52D0] =	vst v10  }
0x8c: {  	v10 =	vld [tilespmem:s17+$0x2AB0];
	[tilespmem:s16+$0x52E0] =	vst v11  }
0x8d: {  	v11 =	vld [tilespmem:s17+$0x2AC0];
	[tilespmem:s17+$0x52F0] =	vst v12  }
0x8e: {  	v63 =	vld [tilespmem:s17+$0x2AD0];
	[tilespmem:s17+$0x5280] =	vst v9  }
0x8f: {  	[tilespmem:s17+$0x5290] =	vst v7;
	v7 =	vld [tilespmem:s17+$0x2AE0]  }
0x90: {  	[tilespmem:s17+$0x52A0] =	vst v8  }
0x91: {  	[tilespmem:s17+$0x52B0] =	vst v10  }
0x92: {  	[tilespmem:s17+$0x52C0] =	vst v11  }
0x93: {  	[tilespmem:s17+$0x52D0] =	vst v63  }
0x94: {  	[tilespmem:s17+$0x52E0] =	vst v7  }
0x95: {  	[spmem:s2] =	stream.indirect.scatter.add.f32 [tilespmem:s13], [sflag:$0x1], $0x80, s12, s11, $0xb8;
	[tilespmem:$0x7B00] =	vst v63  }
0x96: {  	_ =	swait.ge [sflag:s9], $0x2800  }
0x97: {  	s3 =	sadd.s32 $0x1, s3;
	[sflag:s9] =	ssyncset.done $0x0  }
0x98: {  	p1 =	sne.s32 s3, s7;
	[sflag:s9] =	ssyncadd.s32 $0xFFFFD800  }
.Ltmp3:
0x99: {  	s16 =	simm.s32 @!p0 $0x1;
	[bflag:$0x0] =	sbarrier.arrive $0xFFFF;
	(pc) =	sbr.rel @p1 .LBB2_1-.Ltmp3, $4  }
0x9a: {  	[hbm:s6], [sflag:s14] =	dma.local @!p0 [spmem:s15], $0x80  }
0x9b: {  	_ =	swait.ge @!p0 [sflag:s16], $0x80  }
0x9c: {  	[sflag:s16] =	ssyncset.done @!p0 $0x0  }
0x9d: {  	[sflag:s16] =	ssyncadd.s32 @!p0 $0xFFFFFF80  }
0x9e: {  	_ =	sfence.sel $0x180000  }
0x9f: {  	[bflag:$0x0] =	sbarrier.arrive $0xFFFF  }
0xa0: {  	p0 =	sne.s32 s1, $0x0;
	_ =	strace $0x90000047  }
0xa1: {  	s0 =	sadd.s32 @!p0 $0x100000, s0;
	[bflag:$0x2] =	sbarrier.arrive $0xFFFF  }
0xa2: {  	[sflag:s0] =	ssyncadd.tile.s32 @!p0 $0x1;
	_ =	shalt  }
.Lfunc_end2:
_tile_overlayer_lowered:
.L_overlay_start_2:
0xa3: {  	(tag) =	ssettag $0x2  }
0xa4: {  	s0 =	rddreg [dreg:$0x0];
	s2 =	stileid.u32  }
0xa5: {  	s1 =	rddreg [dreg:$0x1];
	p0 =	sne.s32 s2, $0x0  }
0xa6: {  	s3 =	rddreg [dreg:$0x2];
	[bflag:$0x3] =	sbarrier.arrive $0xFFFF;
	s2 =	simm.s32 @!p0 $0x1C01  }
0xa7: {  	[timem:s3], [sflag:s2] =	dma.local @!p0 [hbm:s0], s1  }
0xa8: {  	s0 =	simm.s32 @!p0 $0x1  }
0xa9: {  	_ =	swait.ge @!p0 [sflag:s0], s1  }
0xaa: {  	s1 =	ssub.s32 @!p0 $0x0, s1;
	[sflag:s0] =	ssyncset.done @!p0 $0x0  }
0xab: {  	[sflag:s0] =	ssyncadd.s32 @!p0 s1  }
0xac: {  	[bflag:$0x3] =	sbarrier.arrive $0xFFFF  }
0xad: {  	_ =	shalt  }

</sc_bundles>
